<compile_context>
chip_gen: v7x
topology: tpu7x:2x2x1
jax: 0.10.2.dev20260603
libtpu: 0.0.44.dev20260713+nightly
codegen_flags: <defaults>
</compile_context>

<pallas_src>
import functools
import math

import jax
import jax.numpy as jnp
from jax import lax
from jax.experimental import pallas as pl
from jax.experimental.pallas import tpu as pltpu
from jax.experimental.pallas import tpu_sc as plsc

_B, _S, _D = 16, 512, 2048
_K = 16
_H = 1024
_SF = 128
_SH = 256
_MULT = 1.0

_BBLK = 2
_NB = _B // _BBLK

_NW = 32
_ROWS = _B * _S
_RPW = _ROWS // _NW
_CH = 16
_NCH = _RPW // _CH


def _sc_copy_kernel(emb_hbm, out_hbm, buf, s_in0, s_in1, s_out0, s_out1):
    wid = lax.axis_index("s") * 2 + lax.axis_index("c")
    base = wid * _RPW
    in_sems = (s_in0, s_in1)
    out_sems = (s_out0, s_out1)
    cin = [pltpu.make_async_copy(emb_hbm.at[pl.ds(base + i * _CH, _CH)],
                                 buf.at[i % 2], in_sems[i % 2])
           for i in range(_NCH)]
    cout = [pltpu.make_async_copy(buf.at[i % 2],
                                  out_hbm.at[pl.ds(base + i * _CH, _CH)],
                                  out_sems[i % 2])
            for i in range(_NCH)]
    cin[0].start()
    for i in range(_NCH):
        if i + 1 < _NCH:
            if i >= 1:
                cout[i - 1].wait()
            cin[i + 1].start()
        cin[i].wait()
        cout[i].start()
    cout[_NCH - 2].wait()
    cout[_NCH - 1].wait()


_sc_copy = functools.partial(
    pl.kernel,
    out_type=jax.ShapeDtypeStruct((_ROWS, _D), jnp.float32),
    mesh=plsc.VectorSubcoreMesh(core_axis_name="c", subcore_axis_name="s"),
    scratch_types=[
        pltpu.VMEM((2, _CH, _D), jnp.float32),
        pltpu.SemaphoreType.DMA,
        pltpu.SemaphoreType.DMA,
        pltpu.SemaphoreType.DMA,
        pltpu.SemaphoreType.DMA,
    ],
)(_sc_copy_kernel)


def _pool_kernel(seq_ref, emb_ref, t_ref, W1_ref, b1_ref, W3_ref, b3_ref,
                 slot_ref, b2_ref, b4_ref,
                 h_ref, hs_ref, const_ref, pooled_ref):
    g = pl.program_id(0)
    rows = lax.broadcasted_iota(jnp.int32, (_S, 1), 0)
    for i in range(_BBLK):
        seq = seq_ref[g * _BBLK + i]
        w = (rows < seq).astype(jnp.float32)
        psum = jnp.sum(emb_ref[i] * w, axis=0, keepdims=True)
        inv = 1.0 / jnp.maximum(seq, 1).astype(jnp.float32)
        pooled_ref[pl.ds(g * _BBLK + i, 1), :] = psum * inv

    @pl.when(g == 0)
    def _():
        half = _SF // 2
        t = t_ref[...].reshape(_B, 1)
        io = lax.broadcasted_iota(jnp.int32, (1, half), 1).astype(jnp.float32)
        freqs = jnp.exp((-math.log(10000.0) / half) * io)
        ang = t * freqs
        feat = jnp.concatenate([jnp.cos(ang), jnp.sin(ang)], axis=1)
        pre_s = jnp.dot(feat, W3_ref[...],
                        preferred_element_type=jnp.float32) + b3_ref[...][None, :]
        hs_ref[...] = (pre_s / (1.0 + jnp.exp(-pre_s))).astype(jnp.bfloat16)
        const_ref[...] = (slot_ref[...] + b2_ref[...].reshape(_K, _D)
                          + b4_ref[...].reshape(_K, _D))

    @pl.when(g == _NB - 1)
    def _():
        pre = jnp.dot(pooled_ref[...], W1_ref[...],
                      preferred_element_type=jnp.float32) + b1_ref[...][None, :]
        gelu = 0.5 * pre * (1.0 + lax.erf(pre * (1.0 / math.sqrt(2.0))))
        h_ref[...] = gelu.astype(jnp.bfloat16)


def _mlp_kernel(h_ref, hs_ref, const_ref, W2_ref, W4_ref, post_ref):
    k = pl.program_id(0)
    val = (jnp.dot(h_ref[...], W2_ref[...].astype(jnp.bfloat16),
                   preferred_element_type=jnp.float32)
           + jnp.dot(hs_ref[...], W4_ref[...].astype(jnp.bfloat16),
                     preferred_element_type=jnp.float32)
           + const_ref[pl.ds(k, 1), :]) * _MULT
    post_ref[:, pl.ds(k, 1), :] = val[:, None, :]


def _splice_kernel(outbuf_ref, post_ref, out_ref):
    out_ref[...] = post_ref[...]


def kernel(crossattn_emb, crossattn_seqlens, timesteps,
           W1, b1, W2, b2, slot_embed, W3, b3, W4, b4):
    seq_i32 = crossattn_seqlens.astype(jnp.int32)

    out0 = _sc_copy(crossattn_emb.reshape(_ROWS, _D)).reshape(_B, _S, _D)

    h, hs, const = pl.pallas_call(
        _pool_kernel,
        grid=(_NB,),
        in_specs=[
            pl.BlockSpec(memory_space=pltpu.SMEM),
            pl.BlockSpec((_BBLK, _S, _D), lambda g: (g, 0, 0)),
            pl.BlockSpec((_B,), lambda g: (0,)),
            pl.BlockSpec((_D, _H), lambda g: (0, 0)),
            pl.BlockSpec((_H,), lambda g: (0,)),
            pl.BlockSpec((_SF, _SH), lambda g: (0, 0)),
            pl.BlockSpec((_SH,), lambda g: (0,)),
            pl.BlockSpec((_K, _D), lambda g: (0, 0)),
            pl.BlockSpec((_K * _D,), lambda g: (0,)),
            pl.BlockSpec((_K * _D,), lambda g: (0,)),
        ],
        out_specs=[
            pl.BlockSpec((_B, _H), lambda g: (0, 0)),
            pl.BlockSpec((_B, _SH), lambda g: (0, 0)),
            pl.BlockSpec((_K, _D), lambda g: (0, 0)),
        ],
        out_shape=[
            jax.ShapeDtypeStruct((_B, _H), jnp.bfloat16),
            jax.ShapeDtypeStruct((_B, _SH), jnp.bfloat16),
            jax.ShapeDtypeStruct((_K, _D), jnp.float32),
        ],
        scratch_shapes=[
            pltpu.VMEM((_B, _D), jnp.float32),
        ],
        compiler_params=pltpu.CompilerParams(
            dimension_semantics=("arbitrary",)),
    )(seq_i32, crossattn_emb, timesteps.astype(jnp.float32),
      W1, b1, W3, b3, slot_embed, b2, b4)

    postfix = pl.pallas_call(
        _mlp_kernel,
        grid=(_K,),
        in_specs=[
            pl.BlockSpec((_B, _H), lambda k: (0, 0)),
            pl.BlockSpec((_B, _SH), lambda k: (0, 0)),
            pl.BlockSpec((_K, _D), lambda k: (0, 0)),
            pl.BlockSpec((_H, _D), lambda k: (0, k)),
            pl.BlockSpec((_SH, _D), lambda k: (0, k)),
        ],
        out_specs=pl.BlockSpec((_B, _K, _D), lambda k: (0, 0, 0)),
        out_shape=jax.ShapeDtypeStruct((_B, _K, _D), jnp.float32),
        compiler_params=pltpu.CompilerParams(
            dimension_semantics=("arbitrary",)),
    )(h, hs, const, W2, W4)

    out = pl.pallas_call(
        _splice_kernel,
        grid=(1,),
        in_specs=[
            pl.BlockSpec((_B, _K, _D), lambda i: (0, (_S - _K) // _K, 0)),
            pl.BlockSpec((_B, _K, _D), lambda i: (0, 0, 0)),
        ],
        out_specs=pl.BlockSpec((_B, _K, _D), lambda i: (0, (_S - _K) // _K, 0)),
        out_shape=jax.ShapeDtypeStruct((_B, _S, _D), jnp.float32),
        input_output_aliases={0: 0},
    )(out0, postfix)
    return out

# --- scband reference (transcript-rebuilt; emitter-appended) ---
"""Pipeline reference for scband-postfix-network-326417514828 (READ-ONLY COPY).

The authoritative reference and input builder live on the scoring server;
editing this copy changes nothing except your own understanding.
"""

import math
import jax, jax.numpy as jnp
import numpy as np

B, S, D = 16, 512, 2048
K = 16          # num_postfix_tokens
H = 1024        # cond_hidden_dim
SF = 128        # sigma_feature_dim
SH = 256        # sigma_hidden_dim
MULT = 1.0


def setup_inputs(seed: int = 0) -> dict:
    key = jax.random.key(seed)
    ks = jax.random.split(key, 12)
    crossattn_emb = jax.random.normal(ks[0], (B, S, D), dtype=jnp.float32)
    crossattn_seqlens = jax.random.randint(ks[1], (B,), 1, S - K)
    timesteps = jax.random.uniform(ks[2], (B,), dtype=jnp.float32)
    # cond_mlp params (Linear(D,H) -> GELU -> Linear(H, K*D)); last layer is
    # zero-inited in the original module, use small random values so the
    # computation is nontrivial for testing.
    W1 = jax.random.normal(ks[3], (D, H), dtype=jnp.float32) * 0.02
    b1 = jnp.zeros((H,), dtype=jnp.float32)
    W2 = jax.random.normal(ks[4], (H, K * D), dtype=jnp.float32) * 0.02
    b2 = jnp.zeros((K * D,), dtype=jnp.float32)
    slot_embed = jax.random.normal(ks[5], (K, D), dtype=jnp.float32) * 0.02
    # sigma_mlp params (Linear(SF,SH) -> SiLU -> Linear(SH, K*D))
    W3 = jax.random.normal(ks[6], (SF, SH), dtype=jnp.float32) * 0.02
    b3 = jnp.zeros((SH,), dtype=jnp.float32)
    W4 = jax.random.normal(ks[7], (SH, K * D), dtype=jnp.float32) * 0.02
    b4 = jnp.zeros((K * D,), dtype=jnp.float32)
    return {
        'crossattn_emb': crossattn_emb,
        'crossattn_seqlens': crossattn_seqlens,
        'timesteps': timesteps,
        'W1': W1, 'b1': b1, 'W2': W2, 'b2': b2,
        'slot_embed': slot_embed,
        'W3': W3, 'b3': b3, 'W4': W4, 'b4': b4,
    }


def _sigma_features(timesteps):
    t = timesteps.reshape(-1).astype(jnp.float32)
    half = SF // 2
    exponent = -math.log(10000.0) * jnp.arange(half, dtype=jnp.float32) / max(half, 1)
    freqs = jnp.exp(exponent)
    angles = t[:, None] * freqs[None, :]
    return jnp.concatenate([jnp.cos(angles), jnp.sin(angles)], axis=-1)


def reference(crossattn_emb, crossattn_seqlens, timesteps, W1, b1, W2, b2, slot_embed, W3, b3, W4, b4):
    Bq, Sq, Dq = crossattn_emb.shape
    # masked mean-pool over real tokens
    pos = jnp.arange(Sq)[None, :]
    mask = (pos < crossattn_seqlens[:, None]).astype(crossattn_emb.dtype)
    denom = jnp.clip(jnp.sum(mask, axis=1, keepdims=True), 1.0, None)
    pooled = jnp.sum(crossattn_emb * mask[:, :, None], axis=1) / denom
    # cond_mlp: Linear -> GELU (exact, matching torch default) -> Linear
    h = jax.nn.gelu(pooled @ W1 + b1, approximate=False)
    cond_out = (h @ W2 + b2).reshape(Bq, K, Dq)
    postfix = cond_out + slot_embed[None, :, :]
    # sigma residual: sinusoidal features -> Linear -> SiLU -> Linear
    sigma_feat = _sigma_features(timesteps)
    hs = jax.nn.silu(sigma_feat @ W3 + b3)
    sigma_residual = (hs @ W4 + b4).reshape(Bq, K, Dq)
    postfix = (postfix + sigma_residual) * MULT
    # splice_position == 'end_of_sequence': overwrite slots [S-K, S)
    out = crossattn_emb.at[:, Sq - K:, :].set(postfix)
    return out

if __name__ == "__main__":
    import jax
    _d = setup_inputs()
    print(jax.jit(kernel)(*tuple(_d.values())))

</pallas_src>

<mosaic_0001>
#map = affine_map<(d0, d1) -> (0, 0)>
module attributes {stable_mosaic.version = 14 : i64} {
  func.func @_sc_copy_kernel(%arg0: i32, %arg1: i32, %arg2: memref<8192x2048xf32, #tpu.memory_space<hbm>>, %arg3: memref<8192x2048xf32, #tpu.memory_space<hbm>>, %arg4: memref<2x16x2048xf32, #tpu.memory_space<vmem>>, %arg5: memref<!tpu.dma_semaphore, #tpu.memory_space<semaphore_mem>>, %arg6: memref<!tpu.dma_semaphore, #tpu.memory_space<semaphore_mem>>, %arg7: memref<!tpu.dma_semaphore, #tpu.memory_space<semaphore_mem>>, %arg8: memref<!tpu.dma_semaphore, #tpu.memory_space<semaphore_mem>>) attributes {dimension_semantics = [#tpu.dimension_semantics<core_parallel>, #tpu.dimension_semantics<subcore_parallel>], iteration_bounds = array<i64: 2, 16>, scalar_prefetch = 0 : i64, scratch_operands = 5 : i64, tpu.core_type = #tpu.core_type<sc_vector_subcore>, window_params = [{transform_indices = #map}, {transform_indices = #map}]} {
    %mul3A = arith.constant 2 : i32
    %mul3A_0 = arith.muli %arg1, %mul3A : i32
    %add3A = arith.addi %mul3A_0, %arg0 : i32
    %mul3A_1 = arith.constant 256 : i32
    %mul3A_2 = arith.muli %add3A, %mul3A_1 : i32
    %add3A_3 = arith.constant 0 : i32
    %add3A_4 = arith.addi %mul3A_2, %add3A_3 : i32
    %add3A_5 = arith.constant 16 : i32
    %add3A_6 = arith.addi %mul3A_2, %add3A_5 : i32
    %add3A_7 = arith.constant 32 : i32
    %add3A_8 = arith.addi %mul3A_2, %add3A_7 : i32
    %add3A_9 = arith.constant 48 : i32
    %add3A_10 = arith.addi %mul3A_2, %add3A_9 : i32
    %add3A_11 = arith.constant 64 : i32
    %add3A_12 = arith.addi %mul3A_2, %add3A_11 : i32
    %add3A_13 = arith.constant 80 : i32
    %add3A_14 = arith.addi %mul3A_2, %add3A_13 : i32
    %add3A_15 = arith.constant 96 : i32
    %add3A_16 = arith.addi %mul3A_2, %add3A_15 : i32
    %add3A_17 = arith.constant 112 : i32
    %add3A_18 = arith.addi %mul3A_2, %add3A_17 : i32
    %add3A_19 = arith.constant 128 : i32
    %add3A_20 = arith.addi %mul3A_2, %add3A_19 : i32
    %add3A_21 = arith.constant 144 : i32
    %add3A_22 = arith.addi %mul3A_2, %add3A_21 : i32
    %add3A_23 = arith.constant 160 : i32
    %add3A_24 = arith.addi %mul3A_2, %add3A_23 : i32
    %add3A_25 = arith.constant 176 : i32
    %add3A_26 = arith.addi %mul3A_2, %add3A_25 : i32
    %add3A_27 = arith.constant 192 : i32
    %add3A_28 = arith.addi %mul3A_2, %add3A_27 : i32
    %add3A_29 = arith.constant 208 : i32
    %add3A_30 = arith.addi %mul3A_2, %add3A_29 : i32
    %add3A_31 = arith.constant 224 : i32
    %add3A_32 = arith.addi %mul3A_2, %add3A_31 : i32
    %add3A_33 = arith.constant 240 : i32
    %add3A_34 = arith.addi %mul3A_2, %add3A_33 : i32
    %add3A_35 = arith.constant 0 : i32
    %add3A_36 = arith.addi %mul3A_2, %add3A_35 : i32
    %add3A_37 = arith.constant 16 : i32
    %add3A_38 = arith.addi %mul3A_2, %add3A_37 : i32
    %add3A_39 = arith.constant 32 : i32
    %add3A_40 = arith.addi %mul3A_2, %add3A_39 : i32
    %add3A_41 = arith.constant 48 : i32
    %add3A_42 = arith.addi %mul3A_2, %add3A_41 : i32
    %add3A_43 = arith.constant 64 : i32
    %add3A_44 = arith.addi %mul3A_2, %add3A_43 : i32
    %add3A_45 = arith.constant 80 : i32
    %add3A_46 = arith.addi %mul3A_2, %add3A_45 : i32
    %add3A_47 = arith.constant 96 : i32
    %add3A_48 = arith.addi %mul3A_2, %add3A_47 : i32
    %add3A_49 = arith.constant 112 : i32
    %add3A_50 = arith.addi %mul3A_2, %add3A_49 : i32
    %add3A_51 = arith.constant 128 : i32
    %add3A_52 = arith.addi %mul3A_2, %add3A_51 : i32
    %add3A_53 = arith.constant 144 : i32
    %add3A_54 = arith.addi %mul3A_2, %add3A_53 : i32
    %add3A_55 = arith.constant 160 : i32
    %add3A_56 = arith.addi %mul3A_2, %add3A_55 : i32
    %add3A_57 = arith.constant 176 : i32
    %add3A_58 = arith.addi %mul3A_2, %add3A_57 : i32
    %add3A_59 = arith.constant 192 : i32
    %add3A_60 = arith.addi %mul3A_2, %add3A_59 : i32
    %add3A_61 = arith.constant 208 : i32
    %add3A_62 = arith.addi %mul3A_2, %add3A_61 : i32
    %add3A_63 = arith.constant 224 : i32
    %add3A_64 = arith.addi %mul3A_2, %add3A_63 : i32
    %add3A_65 = arith.constant 240 : i32
    %add3A_66 = arith.addi %mul3A_2, %add3A_65 : i32
    %dma_start3A = arith.constant 0 : i32
    %dma_start3A_67 = arith.constant 0 : i32
    %dma_start3A_68 = arith.constant 0 : i32
    %dma_start3A_69 = tpu.memref_slice %arg4[%dma_start3A, %dma_start3A_67, %dma_start3A_68] : memref<2x16x2048xf32, #tpu.memory_space<vmem>> -> memref<1x16x2048xf32, #tpu.memory_space<vmem>>
    %dma_start3A_70 = tpu.memref_squeeze %dma_start3A_69 : memref<1x16x2048xf32, #tpu.memory_space<vmem>> -> memref<16x2048xf32, #tpu.memory_space<vmem>>
    %dma_start3A_71 = arith.constant 0 : i32
    %dma_start3A_72 = tpu.memref_slice %arg2[%add3A_4, %dma_start3A_71] : memref<8192x2048xf32, #tpu.memory_space<hbm>> -> memref<16x2048xf32, #tpu.memory_space<hbm>>
    %dma_start3A_73 = arith.constant 0 : i32
    %dma_start3A_74 = arith.constant 0 : i32
    %dma_start3A_75 = tpu.memref_slice %arg4[%dma_start3A, %dma_start3A_73, %dma_start3A_74] : memref<2x16x2048xf32, #tpu.memory_space<vmem>> -> memref<1x16x2048xf32, #tpu.memory_space<vmem>>
    %dma_start3A_76 = tpu.memref_squeeze %dma_start3A_75 : memref<1x16x2048xf32, #tpu.memory_space<vmem>> -> memref<16x2048xf32, #tpu.memory_space<vmem>>
    %dma_start3A_77 = arith.constant 0 : i32
    %dma_start3A_78 = tpu.memref_slice %arg2[%add3A_4, %dma_start3A_77] : memref<8192x2048xf32, #tpu.memory_space<hbm>> -> memref<16x2048xf32, #tpu.memory_space<hbm>>
    tpu.enqueue_dma source(%dma_start3A_78 : memref<16x2048xf32, #tpu.memory_space<hbm>>) target(%dma_start3A_76 : memref<16x2048xf32, #tpu.memory_space<vmem>>) target_semaphore(%arg5 : memref<!tpu.dma_semaphore, #tpu.memory_space<semaphore_mem>>)
    %dma_start3A_79 = arith.constant 1 : i32
    %dma_start3A_80 = arith.constant 0 : i32
    %dma_start3A_81 = arith.constant 0 : i32
    %dma_start3A_82 = tpu.memref_slice %arg4[%dma_start3A_79, %dma_start3A_80, %dma_start3A_81] : memref<2x16x2048xf32, #tpu.memory_space<vmem>> -> memref<1x16x2048xf32, #tpu.memory_space<vmem>>
    %dma_start3A_83 = tpu.memref_squeeze %dma_start3A_82 : memref<1x16x2048xf32, #tpu.memory_space<vmem>> -> memref<16x2048xf32, #tpu.memory_space<vmem>>
    %dma_start3A_84 = arith.constant 0 : i32
    %dma_start3A_85 = tpu.memref_slice %arg2[%add3A_6, %dma_start3A_84] : memref<8192x2048xf32, #tpu.memory_space<hbm>> -> memref<16x2048xf32, #tpu.memory_space<hbm>>
    %dma_start3A_86 = arith.constant 0 : i32
    %dma_start3A_87 = arith.constant 0 : i32
    %dma_start3A_88 = tpu.memref_slice %arg4[%dma_start3A_79, %dma_start3A_86, %dma_start3A_87] : memref<2x16x2048xf32, #tpu.memory_space<vmem>> -> memref<1x16x2048xf32, #tpu.memory_space<vmem>>
    %dma_start3A_89 = tpu.memref_squeeze %dma_start3A_88 : memref<1x16x2048xf32, #tpu.memory_space<vmem>> -> memref<16x2048xf32, #tpu.memory_space<vmem>>
    %dma_start3A_90 = arith.constant 0 : i32
    %dma_start3A_91 = tpu.memref_slice %arg2[%add3A_6, %dma_start3A_90] : memref<8192x2048xf32, #tpu.memory_space<hbm>> -> memref<16x2048xf32, #tpu.memory_space<hbm>>
    tpu.enqueue_dma source(%dma_start3A_91 : memref<16x2048xf32, #tpu.memory_space<hbm>>) target(%dma_start3A_89 : memref<16x2048xf32, #tpu.memory_space<vmem>>) target_semaphore(%arg6 : memref<!tpu.dma_semaphore, #tpu.memory_space<semaphore_mem>>)
    %dma_wait3A = arith.constant 0 : i32
    %dma_wait3A_92 = arith.constant 0 : i32
    %dma_wait3A_93 = arith.constant 0 : i32
    %dma_wait3A_94 = tpu.memref_slice %arg4[%dma_wait3A, %dma_wait3A_92, %dma_wait3A_93] : memref<2x16x2048xf32, #tpu.memory_space<vmem>> -> memref<1x16x2048xf32, #tpu.memory_space<vmem>>
    %dma_wait3A_95 = tpu.memref_squeeze %dma_wait3A_94 : memref<1x16x2048xf32, #tpu.memory_space<vmem>> -> memref<16x2048xf32, #tpu.memory_space<vmem>>
    %dma_wait3A_96 = arith.constant 0 : i32
    %dma_wait3A_97 = tpu.memref_slice %arg2[%add3A_4, %dma_wait3A_96] : memref<8192x2048xf32, #tpu.memory_space<hbm>> -> memref<16x2048xf32, #tpu.memory_space<hbm>>
    %dma_wait3A_98 = arith.constant 0 : i32
    %dma_wait3A_99 = arith.constant 0 : i32
    %dma_wait3A_100 = tpu.memref_slice %arg4[%dma_wait3A, %dma_wait3A_98, %dma_wait3A_99] : memref<2x16x2048xf32, #tpu.memory_space<vmem>> -> memref<1x16x2048xf32, #tpu.memory_space<vmem>>
    %dma_wait3A_101 = tpu.memref_squeeze %dma_wait3A_100 : memref<1x16x2048xf32, #tpu.memory_space<vmem>> -> memref<16x2048xf32, #tpu.memory_space<vmem>>
    %dma_wait3A_102 = arith.constant 0 : i32
    %dma_wait3A_103 = tpu.memref_slice %arg2[%add3A_4, %dma_wait3A_102] : memref<8192x2048xf32, #tpu.memory_space<hbm>> -> memref<16x2048xf32, #tpu.memory_space<hbm>>
    tpu.wait_dma2 semaphore(%arg5 : memref<!tpu.dma_semaphore, #tpu.memory_space<semaphore_mem>>) src(%dma_wait3A_103 : memref<16x2048xf32, #tpu.memory_space<hbm>>) dst(%dma_wait3A_101 : memref<16x2048xf32, #tpu.memory_space<vmem>>)
    %dma_start3A_104 = arith.constant 0 : i32
    %dma_start3A_105 = arith.constant 0 : i32
    %dma_start3A_106 = arith.constant 0 : i32
    %dma_start3A_107 = tpu.memref_slice %arg4[%dma_start3A_104, %dma_start3A_105, %dma_start3A_106] : memref<2x16x2048xf32, #tpu.memory_space<vmem>> -> memref<1x16x2048xf32, #tpu.memory_space<vmem>>
    %dma_start3A_108 = tpu.memref_squeeze %dma_start3A_107 : memref<1x16x2048xf32, #tpu.memory_space<vmem>> -> memref<16x2048xf32, #tpu.memory_space<vmem>>
    %dma_start3A_109 = arith.constant 0 : i32
    %dma_start3A_110 = tpu.memref_slice %arg3[%add3A_36, %dma_start3A_109] : memref<8192x2048xf32, #tpu.memory_space<hbm>> -> memref<16x2048xf32, #tpu.memory_space<hbm>>
    %dma_start3A_111 = arith.constant 0 : i32
    %dma_start3A_112 = tpu.memref_slice %arg3[%add3A_36, %dma_start3A_111] : memref<8192x2048xf32, #tpu.memory_space<hbm>> -> memref<16x2048xf32, #tpu.memory_space<hbm>>
    %dma_start3A_113 = arith.constant 0 : i32
    %dma_start3A_114 = arith.constant 0 : i32
    %dma_start3A_115 = tpu.memref_slice %arg4[%dma_start3A_104, %dma_start3A_113, %dma_start3A_114] : memref<2x16x2048xf32, #tpu.memory_space<vmem>> -> memref<1x16x2048xf32, #tpu.memory_space<vmem>>
    %dma_start3A_116 = tpu.memref_squeeze %dma_start3A_115 : memref<1x16x2048xf32, #tpu.memory_space<vmem>> -> memref<16x2048xf32, #tpu.memory_space<vmem>>
    tpu.enqueue_dma source(%dma_start3A_116 : memref<16x2048xf32, #tpu.memory_space<vmem>>) target(%dma_start3A_112 : memref<16x2048xf32, #tpu.memory_space<hbm>>) target_semaphore(%arg7 : memref<!tpu.dma_semaphore, #tpu.memory_space<semaphore_mem>>)
    %dma_wait3A_117 = arith.constant 0 : i32
    %dma_wait3A_118 = arith.constant 0 : i32
    %dma_wait3A_119 = arith.constant 0 : i32
    %dma_wait3A_120 = tpu.memref_slice %arg4[%dma_wait3A_117, %dma_wait3A_118, %dma_wait3A_119] : memref<2x16x2048xf32, #tpu.memory_space<vmem>> -> memref<1x16x2048xf32, #tpu.memory_space<vmem>>
    %dma_wait3A_121 = tpu.memref_squeeze %dma_wait3A_120 : memref<1x16x2048xf32, #tpu.memory_space<vmem>> -> memref<16x2048xf32, #tpu.memory_space<vmem>>
    %dma_wait3A_122 = arith.constant 0 : i32
    %dma_wait3A_123 = tpu.memref_slice %arg3[%add3A_36, %dma_wait3A_122] : memref<8192x2048xf32, #tpu.memory_space<hbm>> -> memref<16x2048xf32, #tpu.memory_space<hbm>>
    %dma_wait3A_124 = arith.constant 0 : i32
    %dma_wait3A_125 = tpu.memref_slice %arg3[%add3A_36, %dma_wait3A_124] : memref<8192x2048xf32, #tpu.memory_space<hbm>> -> memref<16x2048xf32, #tpu.memory_space<hbm>>
    %dma_wait3A_126 = arith.constant 0 : i32
    %dma_wait3A_127 = arith.constant 0 : i32
    %dma_wait3A_128 = tpu.memref_slice %arg4[%dma_wait3A_117, %dma_wait3A_126, %dma_wait3A_127] : memref<2x16x2048xf32, #tpu.memory_space<vmem>> -> memref<1x16x2048xf32, #tpu.memory_space<vmem>>
    %dma_wait3A_129 = tpu.memref_squeeze %dma_wait3A_128 : memref<1x16x2048xf32, #tpu.memory_space<vmem>> -> memref<16x2048xf32, #tpu.memory_space<vmem>>
    tpu.wait_dma2 semaphore(%arg7 : memref<!tpu.dma_semaphore, #tpu.memory_space<semaphore_mem>>) src(%dma_wait3A_129 : memref<16x2048xf32, #tpu.memory_space<vmem>>) dst(%dma_wait3A_125 : memref<16x2048xf32, #tpu.memory_space<hbm>>)
    %dma_start3A_130 = arith.constant 0 : i32
    %dma_start3A_131 = arith.constant 0 : i32
    %dma_start3A_132 = arith.constant 0 : i32
    %dma_start3A_133 = tpu.memref_slice %arg4[%dma_start3A_130, %dma_start3A_131, %dma_start3A_132] : memref<2x16x2048xf32, #tpu.memory_space<vmem>> -> memref<1x16x2048xf32, #tpu.memory_space<vmem>>
    %dma_start3A_134 = tpu.memref_squeeze %dma_start3A_133 : memref<1x16x2048xf32, #tpu.memory_space<vmem>> -> memref<16x2048xf32, #tpu.memory_space<vmem>>
    %dma_start3A_135 = arith.constant 0 : i32
    %dma_start3A_136 = tpu.memref_slice %arg2[%add3A_8, %dma_start3A_135] : memref<8192x2048xf32, #tpu.memory_space<hbm>> -> memref<16x2048xf32, #tpu.memory_space<hbm>>
    %dma_start3A_137 = arith.constant 0 : i32
    %dma_start3A_138 = arith.constant 0 : i32
    %dma_start3A_139 = tpu.memref_slice %arg4[%dma_start3A_130, %dma_start3A_137, %dma_start3A_138] : memref<2x16x2048xf32, #tpu.memory_space<vmem>> -> memref<1x16x2048xf32, #tpu.memory_space<vmem>>
    %dma_start3A_140 = tpu.memref_squeeze %dma_start3A_139 : memref<1x16x2048xf32, #tpu.memory_space<vmem>> -> memref<16x2048xf32, #tpu.memory_space<vmem>>
    %dma_start3A_141 = arith.constant 0 : i32
    %dma_start3A_142 = tpu.memref_slice %arg2[%add3A_8, %dma_start3A_141] : memref<8192x2048xf32, #tpu.memory_space<hbm>> -> memref<16x2048xf32, #tpu.memory_space<hbm>>
    tpu.enqueue_dma source(%dma_start3A_142 : memref<16x2048xf32, #tpu.memory_space<hbm>>) target(%dma_start3A_140 : memref<16x2048xf32, #tpu.memory_space<vmem>>) target_semaphore(%arg5 : memref<!tpu.dma_semaphore, #tpu.memory_space<semaphore_mem>>)
    %dma_wait3A_143 = arith.constant 1 : i32
    %dma_wait3A_144 = arith.constant 0 : i32
    %dma_wait3A_145 = arith.constant 0 : i32
    %dma_wait3A_146 = tpu.memref_slice %arg4[%dma_wait3A_143, %dma_wait3A_144, %dma_wait3A_145] : memref<2x16x2048xf32, #tpu.memory_space<vmem>> -> memref<1x16x2048xf32, #tpu.memory_space<vmem>>
    %dma_wait3A_147 = tpu.memref_squeeze %dma_wait3A_146 : memref<1x16x2048xf32, #tpu.memory_space<vmem>> -> memref<16x2048xf32, #tpu.memory_space<vmem>>
    %dma_wait3A_148 = arith.constant 0 : i32
    %dma_wait3A_149 = tpu.memref_slice %arg2[%add3A_6, %dma_wait3A_148] : memref<8192x2048xf32, #tpu.memory_space<hbm>> -> memref<16x2048xf32, #tpu.memory_space<hbm>>
    %dma_wait3A_150 = arith.constant 0 : i32
    %dma_wait3A_151 = arith.constant 0 : i32
    %dma_wait3A_152 = tpu.memref_slice %arg4[%dma_wait3A_143, %dma_wait3A_150, %dma_wait3A_151] : memref<2x16x2048xf32, #tpu.memory_space<vmem>> -> memref<1x16x2048xf32, #tpu.memory_space<vmem>>
    %dma_wait3A_153 = tpu.memref_squeeze %dma_wait3A_152 : memref<1x16x2048xf32, #tpu.memory_space<vmem>> -> memref<16x2048xf32, #tpu.memory_space<vmem>>
    %dma_wait3A_154 = arith.constant 0 : i32
    %dma_wait3A_155 = tpu.memref_slice %arg2[%add3A_6, %dma_wait3A_154] : memref<8192x2048xf32, #tpu.memory_space<hbm>> -> memref<16x2048xf32, #tpu.memory_space<hbm>>
    tpu.wait_dma2 semaphore(%arg6 : memref<!tpu.dma_semaphore, #tpu.memory_space<semaphore_mem>>) src(%dma_wait3A_155 : memref<16x2048xf32, #tpu.memory_space<hbm>>) dst(%dma_wait3A_153 : memref<16x2048xf32, #tpu.memory_space<vmem>>)
    %dma_start3A_156 = arith.constant 1 : i32
    %dma_start3A_157 = arith.constant 0 : i32
    %dma_start3A_158 = arith.constant 0 : i32
    %dma_start3A_159 = tpu.memref_slice %arg4[%dma_start3A_156, %dma_start3A_157, %dma_start3A_158] : memref<2x16x2048xf32, #tpu.memory_space<vmem>> -> memref<1x16x2048xf32, #tpu.memory_space<vmem>>
    %dma_start3A_160 = tpu.memref_squeeze %dma_start3A_159 : memref<1x16x2048xf32, #tpu.memory_space<vmem>> -> memref<16x2048xf32, #tpu.memory_space<vmem>>
    %dma_start3A_161 = arith.constant 0 : i32
    %dma_start3A_162 = tpu.memref_slice %arg3[%add3A_38, %dma_start3A_161] : memref<8192x2048xf32, #tpu.memory_space<hbm>> -> memref<16x2048xf32, #tpu.memory_space<hbm>>
    %dma_start3A_163 = arith.constant 0 : i32
    %dma_start3A_164 = tpu.memref_slice %arg3[%add3A_38, %dma_start3A_163] : memref<8192x2048xf32, #tpu.memory_space<hbm>> -> memref<16x2048xf32, #tpu.memory_space<hbm>>
    %dma_start3A_165 = arith.constant 0 : i32
    %dma_start3A_166 = arith.constant 0 : i32
    %dma_start3A_167 = tpu.memref_slice %arg4[%dma_start3A_156, %dma_start3A_165, %dma_start3A_166] : memref<2x16x2048xf32, #tpu.memory_space<vmem>> -> memref<1x16x2048xf32, #tpu.memory_space<vmem>>
    %dma_start3A_168 = tpu.memref_squeeze %dma_start3A_167 : memref<1x16x2048xf32, #tpu.memory_space<vmem>> -> memref<16x2048xf32, #tpu.memory_space<vmem>>
    tpu.enqueue_dma source(%dma_start3A_168 : memref<16x2048xf32, #tpu.memory_space<vmem>>) target(%dma_start3A_164 : memref<16x2048xf32, #tpu.memory_space<hbm>>) target_semaphore(%arg8 : memref<!tpu.dma_semaphore, #tpu.memory_space<semaphore_mem>>)
    %dma_wait3A_169 = arith.constant 1 : i32
    %dma_wait3A_170 = arith.constant 0 : i32
    %dma_wait3A_171 = arith.constant 0 : i32
    %dma_wait3A_172 = tpu.memref_slice %arg4[%dma_wait3A_169, %dma_wait3A_170, %dma_wait3A_171] : memref<2x16x2048xf32, #tpu.memory_space<vmem>> -> memref<1x16x2048xf32, #tpu.memory_space<vmem>>
    %dma_wait3A_173 = tpu.memref_squeeze %dma_wait3A_172 : memref<1x16x2048xf32, #tpu.memory_space<vmem>> -> memref<16x2048xf32, #tpu.memory_space<vmem>>
    %dma_wait3A_174 = arith.constant 0 : i32
    %dma_wait3A_175 = tpu.memref_slice %arg3[%add3A_38, %dma_wait3A_174] : memref<8192x2048xf32, #tpu.memory_space<hbm>> -> memref<16x2048xf32, #tpu.memory_space<hbm>>
    %dma_wait3A_176 = arith.constant 0 : i32
    %dma_wait3A_177 = tpu.memref_slice %arg3[%add3A_38, %dma_wait3A_176] : memref<8192x2048xf32, #tpu.memory_space<hbm>> -> memref<16x2048xf32, #tpu.memory_space<hbm>>
    %dma_wait3A_178 = arith.constant 0 : i32
    %dma_wait3A_179 = arith.constant 0 : i32
    %dma_wait3A_180 = tpu.memref_slice %arg4[%dma_wait3A_169, %dma_wait3A_178, %dma_wait3A_179] : memref<2x16x2048xf32, #tpu.memory_space<vmem>> -> memref<1x16x2048xf32, #tpu.memory_space<vmem>>
    %dma_wait3A_181 = tpu.memref_squeeze %dma_wait3A_180 : memref<1x16x2048xf32, #tpu.memory_space<vmem>> -> memref<16x2048xf32, #tpu.memory_space<vmem>>
    tpu.wait_dma2 semaphore(%arg8 : memref<!tpu.dma_semaphore, #tpu.memory_space<semaphore_mem>>) src(%dma_wait3A_181 : memref<16x2048xf32, #tpu.memory_space<vmem>>) dst(%dma_wait3A_177 : memref<16x2048xf32, #tpu.memory_space<hbm>>)
    %dma_start3A_182 = arith.constant 1 : i32
    %dma_start3A_183 = arith.constant 0 : i32
    %dma_start3A_184 = arith.constant 0 : i32
    %dma_start3A_185 = tpu.memref_slice %arg4[%dma_start3A_182, %dma_start3A_183, %dma_start3A_184] : memref<2x16x2048xf32, #tpu.memory_space<vmem>> -> memref<1x16x2048xf32, #tpu.memory_space<vmem>>
    %dma_start3A_186 = tpu.memref_squeeze %dma_start3A_185 : memref<1x16x2048xf32, #tpu.memory_space<vmem>> -> memref<16x2048xf32, #tpu.memory_space<vmem>>
    %dma_start3A_187 = arith.constant 0 : i32
    %dma_start3A_188 = tpu.memref_slice %arg2[%add3A_10, %dma_start3A_187] : memref<8192x2048xf32, #tpu.memory_space<hbm>> -> memref<16x2048xf32, #tpu.memory_space<hbm>>
    %dma_start3A_189 = arith.constant 0 : i32
    %dma_start3A_190 = arith.constant 0 : i32
    %dma_start3A_191 = tpu.memref_slice %arg4[%dma_start3A_182, %dma_start3A_189, %dma_start3A_190] : memref<2x16x2048xf32, #tpu.memory_space<vmem>> -> memref<1x16x2048xf32, #tpu.memory_space<vmem>>
    %dma_start3A_192 = tpu.memref_squeeze %dma_start3A_191 : memref<1x16x2048xf32, #tpu.memory_space<vmem>> -> memref<16x2048xf32, #tpu.memory_space<vmem>>
    %dma_start3A_193 = arith.constant 0 : i32
    %dma_start3A_194 = tpu.memref_slice %arg2[%add3A_10, %dma_start3A_193] : memref<8192x2048xf32, #tpu.memory_space<hbm>> -> memref<16x2048xf32, #tpu.memory_space<hbm>>
    tpu.enqueue_dma source(%dma_start3A_194 : memref<16x2048xf32, #tpu.memory_space<hbm>>) target(%dma_start3A_192 : memref<16x2048xf32, #tpu.memory_space<vmem>>) target_semaphore(%arg6 : memref<!tpu.dma_semaphore, #tpu.memory_space<semaphore_mem>>)
    %dma_wait3A_195 = arith.constant 0 : i32
    %dma_wait3A_196 = arith.constant 0 : i32
    %dma_wait3A_197 = arith.constant 0 : i32
    %dma_wait3A_198 = tpu.memref_slice %arg4[%dma_wait3A_195, %dma_wait3A_196, %dma_wait3A_197] : memref<2x16x2048xf32, #tpu.memory_space<vmem>> -> memref<1x16x2048xf32, #tpu.memory_space<vmem>>
    %dma_wait3A_199 = tpu.memref_squeeze %dma_wait3A_198 : memref<1x16x2048xf32, #tpu.memory_space<vmem>> -> memref<16x2048xf32, #tpu.memory_space<vmem>>
    %dma_wait3A_200 = arith.constant 0 : i32
    %dma_wait3A_201 = tpu.memref_slice %arg2[%add3A_8, %dma_wait3A_200] : memref<8192x2048xf32, #tpu.memory_space<hbm>> -> memref<16x2048xf32, #tpu.memory_space<hbm>>
    %dma_wait3A_202 = arith.constant 0 : i32
    %dma_wait3A_203 = arith.constant 0 : i32
    %dma_wait3A_204 = tpu.memref_slice %arg4[%dma_wait3A_195, %dma_wait3A_202, %dma_wait3A_203] : memref<2x16x2048xf32, #tpu.memory_space<vmem>> -> memref<1x16x2048xf32, #tpu.memory_space<vmem>>
    %dma_wait3A_205 = tpu.memref_squeeze %dma_wait3A_204 : memref<1x16x2048xf32, #tpu.memory_space<vmem>> -> memref<16x2048xf32, #tpu.memory_space<vmem>>
    %dma_wait3A_206 = arith.constant 0 : i32
    %dma_wait3A_207 = tpu.memref_slice %arg2[%add3A_8, %dma_wait3A_206] : memref<8192x2048xf32, #tpu.memory_space<hbm>> -> memref<16x2048xf32, #tpu.memory_space<hbm>>
    tpu.wait_dma2 semaphore(%arg5 : memref<!tpu.dma_semaphore, #tpu.memory_space<semaphore_mem>>) src(%dma_wait3A_207 : memref<16x2048xf32, #tpu.memory_space<hbm>>) dst(%dma_wait3A_205 : memref<16x2048xf32, #tpu.memory_space<vmem>>)
    %dma_start3A_208 = arith.constant 0 : i32
    %dma_start3A_209 = arith.constant 0 : i32
    %dma_start3A_210 = arith.constant 0 : i32
    %dma_start3A_211 = tpu.memref_slice %arg4[%dma_start3A_208, %dma_start3A_209, %dma_start3A_210] : memref<2x16x2048xf32, #tpu.memory_space<vmem>> -> memref<1x16x2048xf32, #tpu.memory_space<vmem>>
    %dma_start3A_212 = tpu.memref_squeeze %dma_start3A_211 : memref<1x16x2048xf32, #tpu.memory_space<vmem>> -> memref<16x2048xf32, #tpu.memory_space<vmem>>
    %dma_start3A_213 = arith.constant 0 : i32
    %dma_start3A_214 = tpu.memref_slice %arg3[%add3A_40, %dma_start3A_213] : memref<8192x2048xf32, #tpu.memory_space<hbm>> -> memref<16x2048xf32, #tpu.memory_space<hbm>>
    %dma_start3A_215 = arith.constant 0 : i32
    %dma_start3A_216 = tpu.memref_slice %arg3[%add3A_40, %dma_start3A_215] : memref<8192x2048xf32, #tpu.memory_space<hbm>> -> memref<16x2048xf32, #tpu.memory_space<hbm>>
    %dma_start3A_217 = arith.constant 0 : i32
    %dma_start3A_218 = arith.constant 0 : i32
    %dma_start3A_219 = tpu.memref_slice %arg4[%dma_start3A_208, %dma_start3A_217, %dma_start3A_218] : memref<2x16x2048xf32, #tpu.memory_space<vmem>> -> memref<1x16x2048xf32, #tpu.memory_space<vmem>>
    %dma_start3A_220 = tpu.memref_squeeze %dma_start3A_219 : memref<1x16x2048xf32, #tpu.memory_space<vmem>> -> memref<16x2048xf32, #tpu.memory_space<vmem>>
    tpu.enqueue_dma source(%dma_start3A_220 : memref<16x2048xf32, #tpu.memory_space<vmem>>) target(%dma_start3A_216 : memref<16x2048xf32, #tpu.memory_space<hbm>>) target_semaphore(%arg7 : memref<!tpu.dma_semaphore, #tpu.memory_space<semaphore_mem>>)
    %dma_wait3A_221 = arith.constant 0 : i32
    %dma_wait3A_222 = arith.constant 0 : i32
    %dma_wait3A_223 = arith.constant 0 : i32
    %dma_wait3A_224 = tpu.memref_slice %arg4[%dma_wait3A_221, %dma_wait3A_222, %dma_wait3A_223] : memref<2x16x2048xf32, #tpu.memory_space<vmem>> -> memref<1x16x2048xf32, #tpu.memory_space<vmem>>
    %dma_wait3A_225 = tpu.memref_squeeze %dma_wait3A_224 : memref<1x16x2048xf32, #tpu.memory_space<vmem>> -> memref<16x2048xf32, #tpu.memory_space<vmem>>
    %dma_wait3A_226 = arith.constant 0 : i32
    %dma_wait3A_227 = tpu.memref_slice %arg3[%add3A_40, %dma_wait3A_226] : memref<8192x2048xf32, #tpu.memory_space<hbm>> -> memref<16x2048xf32, #tpu.memory_space<hbm>>
    %dma_wait3A_228 = arith.constant 0 : i32
    %dma_wait3A_229 = tpu.memref_slice %arg3[%add3A_40, %dma_wait3A_228] : memref<8192x2048xf32, #tpu.memory_space<hbm>> -> memref<16x2048xf32, #tpu.memory_space<hbm>>
    %dma_wait3A_230 = arith.constant 0 : i32
    %dma_wait3A_231 = arith.constant 0 : i32
    %dma_wait3A_232 = tpu.memref_slice %arg4[%dma_wait3A_221, %dma_wait3A_230, %dma_wait3A_231] : memref<2x16x2048xf32, #tpu.memory_space<vmem>> -> memref<1x16x2048xf32, #tpu.memory_space<vmem>>
    %dma_wait3A_233 = tpu.memref_squeeze %dma_wait3A_232 : memref<1x16x2048xf32, #tpu.memory_space<vmem>> -> memref<16x2048xf32, #tpu.memory_space<vmem>>
    tpu.wait_dma2 semaphore(%arg7 : memref<!tpu.dma_semaphore, #tpu.memory_space<semaphore_mem>>) src(%dma_wait3A_233 : memref<16x2048xf32, #tpu.memory_space<vmem>>) dst(%dma_wait3A_229 : memref<16x2048xf32, #tpu.memory_space<hbm>>)
    %dma_start3A_234 = arith.constant 0 : i32
    %dma_start3A_235 = arith.constant 0 : i32
    %dma_start3A_236 = arith.constant 0 : i32
    %dma_start3A_237 = tpu.memref_slice %arg4[%dma_start3A_234, %dma_start3A_235, %dma_start3A_236] : memref<2x16x2048xf32, #tpu.memory_space<vmem>> -> memref<1x16x2048xf32, #tpu.memory_space<vmem>>
    %dma_start3A_238 = tpu.memref_squeeze %dma_start3A_237 : memref<1x16x2048xf32, #tpu.memory_space<vmem>> -> memref<16x2048xf32, #tpu.memory_space<vmem>>
    %dma_start3A_239 = arith.constant 0 : i32
    %dma_start3A_240 = tpu.memref_slice %arg2[%add3A_12, %dma_start3A_239] : memref<8192x2048xf32, #tpu.memory_space<hbm>> -> memref<16x2048xf32, #tpu.memory_space<hbm>>
    %dma_start3A_241 = arith.constant 0 : i32
    %dma_start3A_242 = arith.constant 0 : i32
    %dma_start3A_243 = tpu.memref_slice %arg4[%dma_start3A_234, %dma_start3A_241, %dma_start3A_242] : memref<2x16x2048xf32, #tpu.memory_space<vmem>> -> memref<1x16x2048xf32, #tpu.memory_space<vmem>>
    %dma_start3A_244 = tpu.memref_squeeze %dma_start3A_243 : memref<1x16x2048xf32, #tpu.memory_space<vmem>> -> memref<16x2048xf32, #tpu.memory_space<vmem>>
    %dma_start3A_245 = arith.constant 0 : i32
    %dma_start3A_246 = tpu.memref_slice %arg2[%add3A_12, %dma_start3A_245] : memref<8192x2048xf32, #tpu.memory_space<hbm>> -> memref<16x2048xf32, #tpu.memory_space<hbm>>
    tpu.enqueue_dma source(%dma_start3A_246 : memref<16x2048xf32, #tpu.memory_space<hbm>>) target(%dma_start3A_244 : memref<16x2048xf32, #tpu.memory_space<vmem>>) target_semaphore(%arg5 : memref<!tpu.dma_semaphore, #tpu.memory_space<semaphore_mem>>)
    %dma_wait3A_247 = arith.constant 1 : i32
    %dma_wait3A_248 = arith.constant 0 : i32
    %dma_wait3A_249 = arith.constant 0 : i32
    %dma_wait3A_250 = tpu.memref_slice %arg4[%dma_wait3A_247, %dma_wait3A_248, %dma_wait3A_249] : memref<2x16x2048xf32, #tpu.memory_space<vmem>> -> memref<1x16x2048xf32, #tpu.memory_space<vmem>>
    %dma_wait3A_251 = tpu.memref_squeeze %dma_wait3A_250 : memref<1x16x2048xf32, #tpu.memory_space<vmem>> -> memref<16x2048xf32, #tpu.memory_space<vmem>>
    %dma_wait3A_252 = arith.constant 0 : i32
    %dma_wait3A_253 = tpu.memref_slice %arg2[%add3A_10, %dma_wait3A_252] : memref<8192x2048xf32, #tpu.memory_space<hbm>> -> memref<16x2048xf32, #tpu.memory_space<hbm>>
    %dma_wait3A_254 = arith.constant 0 : i32
    %dma_wait3A_255 = arith.constant 0 : i32
    %dma_wait3A_256 = tpu.memref_slice %arg4[%dma_wait3A_247, %dma_wait3A_254, %dma_wait3A_255] : memref<2x16x2048xf32, #tpu.memory_space<vmem>> -> memref<1x16x2048xf32, #tpu.memory_space<vmem>>
    %dma_wait3A_257 = tpu.memref_squeeze %dma_wait3A_256 : memref<1x16x2048xf32, #tpu.memory_space<vmem>> -> memref<16x2048xf32, #tpu.memory_space<vmem>>
    %dma_wait3A_258 = arith.constant 0 : i32
    %dma_wait3A_259 = tpu.memref_slice %arg2[%add3A_10, %dma_wait3A_258] : memref<8192x2048xf32, #tpu.memory_space<hbm>> -> memref<16x2048xf32, #tpu.memory_space<hbm>>
    tpu.wait_dma2 semaphore(%arg6 : memref<!tpu.dma_semaphore, #tpu.memory_space<semaphore_mem>>) src(%dma_wait3A_259 : memref<16x2048xf32, #tpu.memory_space<hbm>>) dst(%dma_wait3A_257 : memref<16x2048xf32, #tpu.memory_space<vmem>>)
    %dma_start3A_260 = arith.constant 1 : i32
    %dma_start3A_261 = arith.constant 0 : i32
    %dma_start3A_262 = arith.constant 0 : i32
    %dma_start3A_263 = tpu.memref_slice %arg4[%dma_start3A_260, %dma_start3A_261, %dma_start3A_262] : memref<2x16x2048xf32, #tpu.memory_space<vmem>> -> memref<1x16x2048xf32, #tpu.memory_space<vmem>>
    %dma_start3A_264 = tpu.memref_squeeze %dma_start3A_263 : memref<1x16x2048xf32, #tpu.memory_space<vmem>> -> memref<16x2048xf32, #tpu.memory_space<vmem>>
    %dma_start3A_265 = arith.constant 0 : i32
    %dma_start3A_266 = tpu.memref_slice %arg3[%add3A_42, %dma_start3A_265] : memref<8192x2048xf32, #tpu.memory_space<hbm>> -> memref<16x2048xf32, #tpu.memory_space<hbm>>
    %dma_start3A_267 = arith.constant 0 : i32
    %dma_start3A_268 = tpu.memref_slice %arg3[%add3A_42, %dma_start3A_267] : memref<8192x2048xf32, #tpu.memory_space<hbm>> -> memref<16x2048xf32, #tpu.memory_space<hbm>>
    %dma_start3A_269 = arith.constant 0 : i32
    %dma_start3A_270 = arith.constant 0 : i32
    %dma_start3A_271 = tpu.memref_slice %arg4[%dma_start3A_260, %dma_start3A_269, %dma_start3A_270] : memref<2x16x2048xf32, #tpu.memory_space<vmem>> -> memref<1x16x2048xf32, #tpu.memory_space<vmem>>
    %dma_start3A_272 = tpu.memref_squeeze %dma_start3A_271 : memref<1x16x2048xf32, #tpu.memory_space<vmem>> -> memref<16x2048xf32, #tpu.memory_space<vmem>>
    tpu.enqueue_dma source(%dma_start3A_272 : memref<16x2048xf32, #tpu.memory_space<vmem>>) target(%dma_start3A_268 : memref<16x2048xf32, #tpu.memory_space<hbm>>) target_semaphore(%arg8 : memref<!tpu.dma_semaphore, #tpu.memory_space<semaphore_mem>>)
    %dma_wait3A_273 = arith.constant 1 : i32
    %dma_wait3A_274 = arith.constant 0 : i32
    %dma_wait3A_275 = arith.constant 0 : i32
    %dma_wait3A_276 = tpu.memref_slice %arg4[%dma_wait3A_273, %dma_wait3A_274, %dma_wait3A_275] : memref<2x16x2048xf32, #tpu.memory_space<vmem>> -> memref<1x16x2048xf32, #tpu.memory_space<vmem>>
    %dma_wait3A_277 = tpu.memref_squeeze %dma_wait3A_276 : memref<1x16x2048xf32, #tpu.memory_space<vmem>> -> memref<16x2048xf32, #tpu.memory_space<vmem>>
    %dma_wait3A_278 = arith.constant 0 : i32
    %dma_wait3A_279 = tpu.memref_slice %arg3[%add3A_42, %dma_wait3A_278] : memref<8192x2048xf32, #tpu.memory_space<hbm>> -> memref<16x2048xf32, #tpu.memory_space<hbm>>
    %dma_wait3A_280 = arith.constant 0 : i32
    %dma_wait3A_281 = tpu.memref_slice %arg3[%add3A_42, %dma_wait3A_280] : memref<8192x2048xf32, #tpu.memory_space<hbm>> -> memref<16x2048xf32, #tpu.memory_space<hbm>>
    %dma_wait3A_282 = arith.constant 0 : i32
    %dma_wait3A_283 = arith.constant 0 : i32
    %dma_wait3A_284 = tpu.memref_slice %arg4[%dma_wait3A_273, %dma_wait3A_282, %dma_wait3A_283] : memref<2x16x2048xf32, #tpu.memory_space<vmem>> -> memref<1x16x2048xf32, #tpu.memory_space<vmem>>
    %dma_wait3A_285 = tpu.memref_squeeze %dma_wait3A_284 : memref<1x16x2048xf32, #tpu.memory_space<vmem>> -> memref<16x2048xf32, #tpu.memory_space<vmem>>
    tpu.wait_dma2 semaphore(%arg8 : memref<!tpu.dma_semaphore, #tpu.memory_space<semaphore_mem>>) src(%dma_wait3A_285 : memref<16x2048xf32, #tpu.memory_space<vmem>>) dst(%dma_wait3A_281 : memref<16x2048xf32, #tpu.memory_space<hbm>>)
    %dma_start3A_286 = arith.constant 1 : i32
    %dma_start3A_287 = arith.constant 0 : i32
    %dma_start3A_288 = arith.constant 0 : i32
    %dma_start3A_289 = tpu.memref_slice %arg4[%dma_start3A_286, %dma_start3A_287, %dma_start3A_288] : memref<2x16x2048xf32, #tpu.memory_space<vmem>> -> memref<1x16x2048xf32, #tpu.memory_space<vmem>>
    %dma_start3A_290 = tpu.memref_squeeze %dma_start3A_289 : memref<1x16x2048xf32, #tpu.memory_space<vmem>> -> memref<16x2048xf32, #tpu.memory_space<vmem>>
    %dma_start3A_291 = arith.constant 0 : i32
    %dma_start3A_292 = tpu.memref_slice %arg2[%add3A_14, %dma_start3A_291] : memref<8192x2048xf32, #tpu.memory_space<hbm>> -> memref<16x2048xf32, #tpu.memory_space<hbm>>
    %dma_start3A_293 = arith.constant 0 : i32
    %dma_start3A_294 = arith.constant 0 : i32
    %dma_start3A_295 = tpu.memref_slice %arg4[%dma_start3A_286, %dma_start3A_293, %dma_start3A_294] : memref<2x16x2048xf32, #tpu.memory_space<vmem>> -> memref<1x16x2048xf32, #tpu.memory_space<vmem>>
    %dma_start3A_296 = tpu.memref_squeeze %dma_start3A_295 : memref<1x16x2048xf32, #tpu.memory_space<vmem>> -> memref<16x2048xf32, #tpu.memory_space<vmem>>
    %dma_start3A_297 = arith.constant 0 : i32
    %dma_start3A_298 = tpu.memref_slice %arg2[%add3A_14, %dma_start3A_297] : memref<8192x2048xf32, #tpu.memory_space<hbm>> -> memref<16x2048xf32, #tpu.memory_space<hbm>>
    tpu.enqueue_dma source(%dma_start3A_298 : memref<16x2048xf32, #tpu.memory_space<hbm>>) target(%dma_start3A_296 : memref<16x2048xf32, #tpu.memory_space<vmem>>) target_semaphore(%arg6 : memref<!tpu.dma_semaphore, #tpu.memory_space<semaphore_mem>>)
    %dma_wait3A_299 = arith.constant 0 : i32
    %dma_wait3A_300 = arith.constant 0 : i32
    %dma_wait3A_301 = arith.constant 0 : i32
    %dma_wait3A_302 = tpu.memref_slice %arg4[%dma_wait3A_299, %dma_wait3A_300, %dma_wait3A_301] : memref<2x16x2048xf32, #tpu.memory_space<vmem>> -> memref<1x16x2048xf32, #tpu.memory_space<vmem>>
    %dma_wait3A_303 = tpu.memref_squeeze %dma_wait3A_302 : memref<1x16x2048xf32, #tpu.memory_space<vmem>> -> memref<16x2048xf32, #tpu.memory_space<vmem>>
    %dma_wait3A_304 = arith.constant 0 : i32
    %dma_wait3A_305 = tpu.memref_slice %arg2[%add3A_12, %dma_wait3A_304] : memref<8192x2048xf32, #tpu.memory_space<hbm>> -> memref<16x2048xf32, #tpu.memory_space<hbm>>
    %dma_wait3A_306 = arith.constant 0 : i32
    %dma_wait3A_307 = arith.constant 0 : i32
    %dma_wait3A_308 = tpu.memref_slice %arg4[%dma_wait3A_299, %dma_wait3A_306, %dma_wait3A_307] : memref<2x16x2048xf32, #tpu.memory_space<vmem>> -> memref<1x16x2048xf32, #tpu.memory_space<vmem>>
    %dma_wait3A_309 = tpu.memref_squeeze %dma_wait3A_308 : memref<1x16x2048xf32, #tpu.memory_space<vmem>> -> memref<16x2048xf32, #tpu.memory_space<vmem>>
    %dma_wait3A_310 = arith.constant 0 : i32
    %dma_wait3A_311 = tpu.memref_slice %arg2[%add3A_12, %dma_wait3A_310] : memref<8192x2048xf32, #tpu.memory_space<hbm>> -> memref<16x2048xf32, #tpu.memory_space<hbm>>
    tpu.wait_dma2 semaphore(%arg5 : memref<!tpu.dma_semaphore, #tpu.memory_space<semaphore_mem>>) src(%dma_wait3A_311 : memref<16x2048xf32, #tpu.memory_space<hbm>>) dst(%dma_wait3A_309 : memref<16x2048xf32, #tpu.memory_space<vmem>>)
    %dma_start3A_312 = arith.constant 0 : i32
    %dma_start3A_313 = arith.constant 0 : i32
    %dma_start3A_314 = arith.constant 0 : i32
    %dma_start3A_315 = tpu.memref_slice %arg4[%dma_start3A_312, %dma_start3A_313, %dma_start3A_314] : memref<2x16x2048xf32, #tpu.memory_space<vmem>> -> memref<1x16x2048xf32, #tpu.memory_space<vmem>>
    %dma_start3A_316 = tpu.memref_squeeze %dma_start3A_315 : memref<1x16x2048xf32, #tpu.memory_space<vmem>> -> memref<16x2048xf32, #tpu.memory_space<vmem>>
    %dma_start3A_317 = arith.constant 0 : i32
    %dma_start3A_318 = tpu.memref_slice %arg3[%add3A_44, %dma_start3A_317] : memref<8192x2048xf32, #tpu.memory_space<hbm>> -> memref<16x2048xf32, #tpu.memory_space<hbm>>
    %dma_start3A_319 = arith.constant 0 : i32
    %dma_start3A_320 = tpu.memref_slice %arg3[%add3A_44, %dma_start3A_319] : memref<8192x2048xf32, #tpu.memory_space<hbm>> -> memref<16x2048xf32, #tpu.memory_space<hbm>>
    %dma_start3A_321 = arith.constant 0 : i32
    %dma_start3A_322 = arith.constant 0 : i32
    %dma_start3A_323 = tpu.memref_slice %arg4[%dma_start3A_312, %dma_start3A_321, %dma_start3A_322] : memref<2x16x2048xf32, #tpu.memory_space<vmem>> -> memref<1x16x2048xf32, #tpu.memory_space<vmem>>
    %dma_start3A_324 = tpu.memref_squeeze %dma_start3A_323 : memref<1x16x2048xf32, #tpu.memory_space<vmem>> -> memref<16x2048xf32, #tpu.memory_space<vmem>>
    tpu.enqueue_dma source(%dma_start3A_324 : memref<16x2048xf32, #tpu.memory_space<vmem>>) target(%dma_start3A_320 : memref<16x2048xf32, #tpu.memory_space<hbm>>) target_semaphore(%arg7 : memref<!tpu.dma_semaphore, #tpu.memory_space<semaphore_mem>>)
    %dma_wait3A_325 = arith.constant 0 : i32
    %dma_wait3A_326 = arith.constant 0 : i32
    %dma_wait3A_327 = arith.constant 0 : i32
    %dma_wait3A_328 = tpu.memref_slice %arg4[%dma_wait3A_325, %dma_wait3A_326, %dma_wait3A_327] : memref<2x16x2048xf32, #tpu.memory_space<vmem>> -> memref<1x16x2048xf32, #tpu.memory_space<vmem>>
    %dma_wait3A_329 = tpu.memref_squeeze %dma_wait3A_328 : memref<1x16x2048xf32, #tpu.memory_space<vmem>> -> memref<16x2048xf32, #tpu.memory_space<vmem>>
    %dma_wait3A_330 = arith.constant 0 : i32
    %dma_wait3A_331 = tpu.memref_slice %arg3[%add3A_44, %dma_wait3A_330] : memref<8192x2048xf32, #tpu.memory_space<hbm>> -> memref<16x2048xf32, #tpu.memory_space<hbm>>
    %dma_wait3A_332 = arith.constant 0 : i32
    %dma_wait3A_333 = tpu.memref_slice %arg3[%add3A_44, %dma_wait3A_332] : memref<8192x2048xf32, #tpu.memory_space<hbm>> -> memref<16x2048xf32, #tpu.memory_space<hbm>>
    %dma_wait3A_334 = arith.constant 0 : i32
    %dma_wait3A_335 = arith.constant 0 : i32
    %dma_wait3A_336 = tpu.memref_slice %arg4[%dma_wait3A_325, %dma_wait3A_334, %dma_wait3A_335] : memref<2x16x2048xf32, #tpu.memory_space<vmem>> -> memref<1x16x2048xf32, #tpu.memory_space<vmem>>
    %dma_wait3A_337 = tpu.memref_squeeze %dma_wait3A_336 : memref<1x16x2048xf32, #tpu.memory_space<vmem>> -> memref<16x2048xf32, #tpu.memory_space<vmem>>
    tpu.wait_dma2 semaphore(%arg7 : memref<!tpu.dma_semaphore, #tpu.memory_space<semaphore_mem>>) src(%dma_wait3A_337 : memref<16x2048xf32, #tpu.memory_space<vmem>>) dst(%dma_wait3A_333 : memref<16x2048xf32, #tpu.memory_space<hbm>>)
    %dma_start3A_338 = arith.constant 0 : i32
    %dma_start3A_339 = arith.constant 0 : i32
    %dma_start3A_340 = arith.constant 0 : i32
    %dma_start3A_341 = tpu.memref_slice %arg4[%dma_start3A_338, %dma_start3A_339, %dma_start3A_340] : memref<2x16x2048xf32, #tpu.memory_space<vmem>> -> memref<1x16x2048xf32, #tpu.memory_space<vmem>>
    %dma_start3A_342 = tpu.memref_squeeze %dma_start3A_341 : memref<1x16x2048xf32, #tpu.memory_space<vmem>> -> memref<16x2048xf32, #tpu.memory_space<vmem>>
    %dma_start3A_343 = arith.constant 0 : i32
    %dma_start3A_344 = tpu.memref_slice %arg2[%add3A_16, %dma_start3A_343] : memref<8192x2048xf32, #tpu.memory_space<hbm>> -> memref<16x2048xf32, #tpu.memory_space<hbm>>
    %dma_start3A_345 = arith.constant 0 : i32
    %dma_start3A_346 = arith.constant 0 : i32
    %dma_start3A_347 = tpu.memref_slice %arg4[%dma_start3A_338, %dma_start3A_345, %dma_start3A_346] : memref<2x16x2048xf32, #tpu.memory_space<vmem>> -> memref<1x16x2048xf32, #tpu.memory_space<vmem>>
    %dma_start3A_348 = tpu.memref_squeeze %dma_start3A_347 : memref<1x16x2048xf32, #tpu.memory_space<vmem>> -> memref<16x2048xf32, #tpu.memory_space<vmem>>
    %dma_start3A_349 = arith.constant 0 : i32
    %dma_start3A_350 = tpu.memref_slice %arg2[%add3A_16, %dma_start3A_349] : memref<8192x2048xf32, #tpu.memory_space<hbm>> -> memref<16x2048xf32, #tpu.memory_space<hbm>>
    tpu.enqueue_dma source(%dma_start3A_350 : memref<16x2048xf32, #tpu.memory_space<hbm>>) target(%dma_start3A_348 : memref<16x2048xf32, #tpu.memory_space<vmem>>) target_semaphore(%arg5 : memref<!tpu.dma_semaphore, #tpu.memory_space<semaphore_mem>>)
    %dma_wait3A_351 = arith.constant 1 : i32
    %dma_wait3A_352 = arith.constant 0 : i32
    %dma_wait3A_353 = arith.constant 0 : i32
    %dma_wait3A_354 = tpu.memref_slice %arg4[%dma_wait3A_351, %dma_wait3A_352, %dma_wait3A_353] : memref<2x16x2048xf32, #tpu.memory_space<vmem>> -> memref<1x16x2048xf32, #tpu.memory_space<vmem>>
    %dma_wait3A_355 = tpu.memref_squeeze %dma_wait3A_354 : memref<1x16x2048xf32, #tpu.memory_space<vmem>> -> memref<16x2048xf32, #tpu.memory_space<vmem>>
    %dma_wait3A_356 = arith.constant 0 : i32
    %dma_wait3A_357 = tpu.memref_slice %arg2[%add3A_14, %dma_wait3A_356] : memref<8192x2048xf32, #tpu.memory_space<hbm>> -> memref<16x2048xf32, #tpu.memory_space<hbm>>
    %dma_wait3A_358 = arith.constant 0 : i32
    %dma_wait3A_359 = arith.constant 0 : i32
    %dma_wait3A_360 = tpu.memref_slice %arg4[%dma_wait3A_351, %dma_wait3A_358, %dma_wait3A_359] : memref<2x16x2048xf32, #tpu.memory_space<vmem>> -> memref<1x16x2048xf32, #tpu.memory_space<vmem>>
    %dma_wait3A_361 = tpu.memref_squeeze %dma_wait3A_360 : memref<1x16x2048xf32, #tpu.memory_space<vmem>> -> memref<16x2048xf32, #tpu.memory_space<vmem>>
    %dma_wait3A_362 = arith.constant 0 : i32
    %dma_wait3A_363 = tpu.memref_slice %arg2[%add3A_14, %dma_wait3A_362] : memref<8192x2048xf32, #tpu.memory_space<hbm>> -> memref<16x2048xf32, #tpu.memory_space<hbm>>
    tpu.wait_dma2 semaphore(%arg6 : memref<!tpu.dma_semaphore, #tpu.memory_space<semaphore_mem>>) src(%dma_wait3A_363 : memref<16x2048xf32, #tpu.memory_space<hbm>>) dst(%dma_wait3A_361 : memref<16x2048xf32, #tpu.memory_space<vmem>>)
    %dma_start3A_364 = arith.constant 1 : i32
    %dma_start3A_365 = arith.constant 0 : i32
    %dma_start3A_366 = arith.constant 0 : i32
    %dma_start3A_367 = tpu.memref_slice %arg4[%dma_start3A_364, %dma_start3A_365, %dma_start3A_366] : memref<2x16x2048xf32, #tpu.memory_space<vmem>> -> memref<1x16x2048xf32, #tpu.memory_space<vmem>>
    %dma_start3A_368 = tpu.memref_squeeze %dma_start3A_367 : memref<1x16x2048xf32, #tpu.memory_space<vmem>> -> memref<16x2048xf32, #tpu.memory_space<vmem>>
    %dma_start3A_369 = arith.constant 0 : i32
    %dma_start3A_370 = tpu.memref_slice %arg3[%add3A_46, %dma_start3A_369] : memref<8192x2048xf32, #tpu.memory_space<hbm>> -> memref<16x2048xf32, #tpu.memory_space<hbm>>
    %dma_start3A_371 = arith.constant 0 : i32
    %dma_start3A_372 = tpu.memref_slice %arg3[%add3A_46, %dma_start3A_371] : memref<8192x2048xf32, #tpu.memory_space<hbm>> -> memref<16x2048xf32, #tpu.memory_space<hbm>>
    %dma_start3A_373 = arith.constant 0 : i32
    %dma_start3A_374 = arith.constant 0 : i32
    %dma_start3A_375 = tpu.memref_slice %arg4[%dma_start3A_364, %dma_start3A_373, %dma_start3A_374] : memref<2x16x2048xf32, #tpu.memory_space<vmem>> -> memref<1x16x2048xf32, #tpu.memory_space<vmem>>
    %dma_start3A_376 = tpu.memref_squeeze %dma_start3A_375 : memref<1x16x2048xf32, #tpu.memory_space<vmem>> -> memref<16x2048xf32, #tpu.memory_space<vmem>>
    tpu.enqueue_dma source(%dma_start3A_376 : memref<16x2048xf32, #tpu.memory_space<vmem>>) target(%dma_start3A_372 : memref<16x2048xf32, #tpu.memory_space<hbm>>) target_semaphore(%arg8 : memref<!tpu.dma_semaphore, #tpu.memory_space<semaphore_mem>>)
    %dma_wait3A_377 = arith.constant 1 : i32
    %dma_wait3A_378 = arith.constant 0 : i32
    %dma_wait3A_379 = arith.constant 0 : i32
    %dma_wait3A_380 = tpu.memref_slice %arg4[%dma_wait3A_377, %dma_wait3A_378, %dma_wait3A_379] : memref<2x16x2048xf32, #tpu.memory_space<vmem>> -> memref<1x16x2048xf32, #tpu.memory_space<vmem>>
    %dma_wait3A_381 = tpu.memref_squeeze %dma_wait3A_380 : memref<1x16x2048xf32, #tpu.memory_space<vmem>> -> memref<16x2048xf32, #tpu.memory_space<vmem>>
    %dma_wait3A_382 = arith.constant 0 : i32
    %dma_wait3A_383 = tpu.memref_slice %arg3[%add3A_46, %dma_wait3A_382] : memref<8192x2048xf32, #tpu.memory_space<hbm>> -> memref<16x2048xf32, #tpu.memory_space<hbm>>
    %dma_wait3A_384 = arith.constant 0 : i32
    %dma_wait3A_385 = tpu.memref_slice %arg3[%add3A_46, %dma_wait3A_384] : memref<8192x2048xf32, #tpu.memory_space<hbm>> -> memref<16x2048xf32, #tpu.memory_space<hbm>>
    %dma_wait3A_386 = arith.constant 0 : i32
    %dma_wait3A_387 = arith.constant 0 : i32
    %dma_wait3A_388 = tpu.memref_slice %arg4[%dma_wait3A_377, %dma_wait3A_386, %dma_wait3A_387] : memref<2x16x2048xf32, #tpu.memory_space<vmem>> -> memref<1x16x2048xf32, #tpu.memory_space<vmem>>
    %dma_wait3A_389 = tpu.memref_squeeze %dma_wait3A_388 : memref<1x16x2048xf32, #tpu.memory_space<vmem>> -> memref<16x2048xf32, #tpu.memory_space<vmem>>
    tpu.wait_dma2 semaphore(%arg8 : memref<!tpu.dma_semaphore, #tpu.memory_space<semaphore_mem>>) src(%dma_wait3A_389 : memref<16x2048xf32, #tpu.memory_space<vmem>>) dst(%dma_wait3A_385 : memref<16x2048xf32, #tpu.memory_space<hbm>>)
    %dma_start3A_390 = arith.constant 1 : i32
    %dma_start3A_391 = arith.constant 0 : i32
    %dma_start3A_392 = arith.constant 0 : i32
    %dma_start3A_393 = tpu.memref_slice %arg4[%dma_start3A_390, %dma_start3A_391, %dma_start3A_392] : memref<2x16x2048xf32, #tpu.memory_space<vmem>> -> memref<1x16x2048xf32, #tpu.memory_space<vmem>>
    %dma_start3A_394 = tpu.memref_squeeze %dma_start3A_393 : memref<1x16x2048xf32, #tpu.memory_space<vmem>> -> memref<16x2048xf32, #tpu.memory_space<vmem>>
    %dma_start3A_395 = arith.constant 0 : i32
    %dma_start3A_396 = tpu.memref_slice %arg2[%add3A_18, %dma_start3A_395] : memref<8192x2048xf32, #tpu.memory_space<hbm>> -> memref<16x2048xf32, #tpu.memory_space<hbm>>
    %dma_start3A_397 = arith.constant 0 : i32
    %dma_start3A_398 = arith.constant 0 : i32
    %dma_start3A_399 = tpu.memref_slice %arg4[%dma_start3A_390, %dma_start3A_397, %dma_start3A_398] : memref<2x16x2048xf32, #tpu.memory_space<vmem>> -> memref<1x16x2048xf32, #tpu.memory_space<vmem>>
    %dma_start3A_400 = tpu.memref_squeeze %dma_start3A_399 : memref<1x16x2048xf32, #tpu.memory_space<vmem>> -> memref<16x2048xf32, #tpu.memory_space<vmem>>
    %dma_start3A_401 = arith.constant 0 : i32
    %dma_start3A_402 = tpu.memref_slice %arg2[%add3A_18, %dma_start3A_401] : memref<8192x2048xf32, #tpu.memory_space<hbm>> -> memref<16x2048xf32, #tpu.memory_space<hbm>>
    tpu.enqueue_dma source(%dma_start3A_402 : memref<16x2048xf32, #tpu.memory_space<hbm>>) target(%dma_start3A_400 : memref<16x2048xf32, #tpu.memory_space<vmem>>) target_semaphore(%arg6 : memref<!tpu.dma_semaphore, #tpu.memory_space<semaphore_mem>>)
    %dma_wait3A_403 = arith.constant 0 : i32
    %dma_wait3A_404 = arith.constant 0 : i32
    %dma_wait3A_405 = arith.constant 0 : i32
    %dma_wait3A_406 = tpu.memref_slice %arg4[%dma_wait3A_403, %dma_wait3A_404, %dma_wait3A_405] : memref<2x16x2048xf32, #tpu.memory_space<vmem>> -> memref<1x16x2048xf32, #tpu.memory_space<vmem>>
    %dma_wait3A_407 = tpu.memref_squeeze %dma_wait3A_406 : memref<1x16x2048xf32, #tpu.memory_space<vmem>> -> memref<16x2048xf32, #tpu.memory_space<vmem>>
    %dma_wait3A_408 = arith.constant 0 : i32
    %dma_wait3A_409 = tpu.memref_slice %arg2[%add3A_16, %dma_wait3A_408] : memref<8192x2048xf32, #tpu.memory_space<hbm>> -> memref<16x2048xf32, #tpu.memory_space<hbm>>
    %dma_wait3A_410 = arith.constant 0 : i32
    %dma_wait3A_411 = arith.constant 0 : i32
    %dma_wait3A_412 = tpu.memref_slice %arg4[%dma_wait3A_403, %dma_wait3A_410, %dma_wait3A_411] : memref<2x16x2048xf32, #tpu.memory_space<vmem>> -> memref<1x16x2048xf32, #tpu.memory_space<vmem>>
    %dma_wait3A_413 = tpu.memref_squeeze %dma_wait3A_412 : memref<1x16x2048xf32, #tpu.memory_space<vmem>> -> memref<16x2048xf32, #tpu.memory_space<vmem>>
    %dma_wait3A_414 = arith.constant 0 : i32
    %dma_wait3A_415 = tpu.memref_slice %arg2[%add3A_16, %dma_wait3A_414] : memref<8192x2048xf32, #tpu.memory_space<hbm>> -> memref<16x2048xf32, #tpu.memory_space<hbm>>
    tpu.wait_dma2 semaphore(%arg5 : memref<!tpu.dma_semaphore, #tpu.memory_space<semaphore_mem>>) src(%dma_wait3A_415 : memref<16x2048xf32, #tpu.memory_space<hbm>>) dst(%dma_wait3A_413 : memref<16x2048xf32, #tpu.memory_space<vmem>>)
    %dma_start3A_416 = arith.constant 0 : i32
    %dma_start3A_417 = arith.constant 0 : i32
    %dma_start3A_418 = arith.constant 0 : i32
    %dma_start3A_419 = tpu.memref_slice %arg4[%dma_start3A_416, %dma_start3A_417, %dma_start3A_418] : memref<2x16x2048xf32, #tpu.memory_space<vmem>> -> memref<1x16x2048xf32, #tpu.memory_space<vmem>>
    %dma_start3A_420 = tpu.memref_squeeze %dma_start3A_419 : memref<1x16x2048xf32, #tpu.memory_space<vmem>> -> memref<16x2048xf32, #tpu.memory_space<vmem>>
    %dma_start3A_421 = arith.constant 0 : i32
    %dma_start3A_422 = tpu.memref_slice %arg3[%add3A_48, %dma_start3A_421] : memref<8192x2048xf32, #tpu.memory_space<hbm>> -> memref<16x2048xf32, #tpu.memory_space<hbm>>
    %dma_start3A_423 = arith.constant 0 : i32
    %dma_start3A_424 = tpu.memref_slice %arg3[%add3A_48, %dma_start3A_423] : memref<8192x2048xf32, #tpu.memory_space<hbm>> -> memref<16x2048xf32, #tpu.memory_space<hbm>>
    %dma_start3A_425 = arith.constant 0 : i32
    %dma_start3A_426 = arith.constant 0 : i32
    %dma_start3A_427 = tpu.memref_slice %arg4[%dma_start3A_416, %dma_start3A_425, %dma_start3A_426] : memref<2x16x2048xf32, #tpu.memory_space<vmem>> -> memref<1x16x2048xf32, #tpu.memory_space<vmem>>
    %dma_start3A_428 = tpu.memref_squeeze %dma_start3A_427 : memref<1x16x2048xf32, #tpu.memory_space<vmem>> -> memref<16x2048xf32, #tpu.memory_space<vmem>>
    tpu.enqueue_dma source(%dma_start3A_428 : memref<16x2048xf32, #tpu.memory_space<vmem>>) target(%dma_start3A_424 : memref<16x2048xf32, #tpu.memory_space<hbm>>) target_semaphore(%arg7 : memref<!tpu.dma_semaphore, #tpu.memory_space<semaphore_mem>>)
    %dma_wait3A_429 = arith.constant 0 : i32
    %dma_wait3A_430 = arith.constant 0 : i32
    %dma_wait3A_431 = arith.constant 0 : i32
    %dma_wait3A_432 = tpu.memref_slice %arg4[%dma_wait3A_429, %dma_wait3A_430, %dma_wait3A_431] : memref<2x16x2048xf32, #tpu.memory_space<vmem>> -> memref<1x16x2048xf32, #tpu.memory_space<vmem>>
    %dma_wait3A_433 = tpu.memref_squeeze %dma_wait3A_432 : memref<1x16x2048xf32, #tpu.memory_space<vmem>> -> memref<16x2048xf32, #tpu.memory_space<vmem>>
    %dma_wait3A_434 = arith.constant 0 : i32
    %dma_wait3A_435 = tpu.memref_slice %arg3[%add3A_48, %dma_wait3A_434] : memref<8192x2048xf32, #tpu.memory_space<hbm>> -> memref<16x2048xf32, #tpu.memory_space<hbm>>
    %dma_wait3A_436 = arith.constant 0 : i32
    %dma_wait3A_437 = tpu.memref_slice %arg3[%add3A_48, %dma_wait3A_436] : memref<8192x2048xf32, #tpu.memory_space<hbm>> -> memref<16x2048xf32, #tpu.memory_space<hbm>>
    %dma_wait3A_438 = arith.constant 0 : i32
    %dma_wait3A_439 = arith.constant 0 : i32
    %dma_wait3A_440 = tpu.memref_slice %arg4[%dma_wait3A_429, %dma_wait3A_438, %dma_wait3A_439] : memref<2x16x2048xf32, #tpu.memory_space<vmem>> -> memref<1x16x2048xf32, #tpu.memory_space<vmem>>
    %dma_wait3A_441 = tpu.memref_squeeze %dma_wait3A_440 : memref<1x16x2048xf32, #tpu.memory_space<vmem>> -> memref<16x2048xf32, #tpu.memory_space<vmem>>
    tpu.wait_dma2 semaphore(%arg7 : memref<!tpu.dma_semaphore, #tpu.memory_space<semaphore_mem>>) src(%dma_wait3A_441 : memref<16x2048xf32, #tpu.memory_space<vmem>>) dst(%dma_wait3A_437 : memref<16x2048xf32, #tpu.memory_space<hbm>>)
    %dma_start3A_442 = arith.constant 0 : i32
    %dma_start3A_443 = arith.constant 0 : i32
    %dma_start3A_444 = arith.constant 0 : i32
    %dma_start3A_445 = tpu.memref_slice %arg4[%dma_start3A_442, %dma_start3A_443, %dma_start3A_444] : memref<2x16x2048xf32, #tpu.memory_space<vmem>> -> memref<1x16x2048xf32, #tpu.memory_space<vmem>>
    %dma_start3A_446 = tpu.memref_squeeze %dma_start3A_445 : memref<1x16x2048xf32, #tpu.memory_space<vmem>> -> memref<16x2048xf32, #tpu.memory_space<vmem>>
    %dma_start3A_447 = arith.constant 0 : i32
    %dma_start3A_448 = tpu.memref_slice %arg2[%add3A_20, %dma_start3A_447] : memref<8192x2048xf32, #tpu.memory_space<hbm>> -> memref<16x2048xf32, #tpu.memory_space<hbm>>
    %dma_start3A_449 = arith.constant 0 : i32
    %dma_start3A_450 = arith.constant 0 : i32
    %dma_start3A_451 = tpu.memref_slice %arg4[%dma_start3A_442, %dma_start3A_449, %dma_start3A_450] : memref<2x16x2048xf32, #tpu.memory_space<vmem>> -> memref<1x16x2048xf32, #tpu.memory_space<vmem>>
    %dma_start3A_452 = tpu.memref_squeeze %dma_start3A_451 : memref<1x16x2048xf32, #tpu.memory_space<vmem>> -> memref<16x2048xf32, #tpu.memory_space<vmem>>
    %dma_start3A_453 = arith.constant 0 : i32
    %dma_start3A_454 = tpu.memref_slice %arg2[%add3A_20, %dma_start3A_453] : memref<8192x2048xf32, #tpu.memory_space<hbm>> -> memref<16x2048xf32, #tpu.memory_space<hbm>>
    tpu.enqueue_dma source(%dma_start3A_454 : memref<16x2048xf32, #tpu.memory_space<hbm>>) target(%dma_start3A_452 : memref<16x2048xf32, #tpu.memory_space<vmem>>) target_semaphore(%arg5 : memref<!tpu.dma_semaphore, #tpu.memory_space<semaphore_mem>>)
    %dma_wait3A_455 = arith.constant 1 : i32
    %dma_wait3A_456 = arith.constant 0 : i32
    %dma_wait3A_457 = arith.constant 0 : i32
    %dma_wait3A_458 = tpu.memref_slice %arg4[%dma_wait3A_455, %dma_wait3A_456, %dma_wait3A_457] : memref<2x16x2048xf32, #tpu.memory_space<vmem>> -> memref<1x16x2048xf32, #tpu.memory_space<vmem>>
    %dma_wait3A_459 = tpu.memref_squeeze %dma_wait3A_458 : memref<1x16x2048xf32, #tpu.memory_space<vmem>> -> memref<16x2048xf32, #tpu.memory_space<vmem>>
    %dma_wait3A_460 = arith.constant 0 : i32
    %dma_wait3A_461 = tpu.memref_slice %arg2[%add3A_18, %dma_wait3A_460] : memref<8192x2048xf32, #tpu.memory_space<hbm>> -> memref<16x2048xf32, #tpu.memory_space<hbm>>
    %dma_wait3A_462 = arith.constant 0 : i32
    %dma_wait3A_463 = arith.constant 0 : i32
    %dma_wait3A_464 = tpu.memref_slice %arg4[%dma_wait3A_455, %dma_wait3A_462, %dma_wait3A_463] : memref<2x16x2048xf32, #tpu.memory_space<vmem>> -> memref<1x16x2048xf32, #tpu.memory_space<vmem>>
    %dma_wait3A_465 = tpu.memref_squeeze %dma_wait3A_464 : memref<1x16x2048xf32, #tpu.memory_space<vmem>> -> memref<16x2048xf32, #tpu.memory_space<vmem>>
    %dma_wait3A_466 = arith.constant 0 : i32
    %dma_wait3A_467 = tpu.memref_slice %arg2[%add3A_18, %dma_wait3A_466] : memref<8192x2048xf32, #tpu.memory_space<hbm>> -> memref<16x2048xf32, #tpu.memory_space<hbm>>
    tpu.wait_dma2 semaphore(%arg6 : memref<!tpu.dma_semaphore, #tpu.memory_space<semaphore_mem>>) src(%dma_wait3A_467 : memref<16x2048xf32, #tpu.memory_space<hbm>>) dst(%dma_wait3A_465 : memref<16x2048xf32, #tpu.memory_space<vmem>>)
    %dma_start3A_468 = arith.constant 1 : i32
    %dma_start3A_469 = arith.constant 0 : i32
    %dma_start3A_470 = arith.constant 0 : i32
    %dma_start3A_471 = tpu.memref_slice %arg4[%dma_start3A_468, %dma_start3A_469, %dma_start3A_470] : memref<2x16x2048xf32, #tpu.memory_space<vmem>> -> memref<1x16x2048xf32, #tpu.memory_space<vmem>>
    %dma_start3A_472 = tpu.memref_squeeze %dma_start3A_471 : memref<1x16x2048xf32, #tpu.memory_space<vmem>> -> memref<16x2048xf32, #tpu.memory_space<vmem>>
    %dma_start3A_473 = arith.constant 0 : i32
    %dma_start3A_474 = tpu.memref_slice %arg3[%add3A_50, %dma_start3A_473] : memref<8192x2048xf32, #tpu.memory_space<hbm>> -> memref<16x2048xf32, #tpu.memory_space<hbm>>
    %dma_start3A_475 = arith.constant 0 : i32
    %dma_start3A_476 = tpu.memref_slice %arg3[%add3A_50, %dma_start3A_475] : memref<8192x2048xf32, #tpu.memory_space<hbm>> -> memref<16x2048xf32, #tpu.memory_space<hbm>>
    %dma_start3A_477 = arith.constant 0 : i32
    %dma_start3A_478 = arith.constant 0 : i32
    %dma_start3A_479 = tpu.memref_slice %arg4[%dma_start3A_468, %dma_start3A_477, %dma_start3A_478] : memref<2x16x2048xf32, #tpu.memory_space<vmem>> -> memref<1x16x2048xf32, #tpu.memory_space<vmem>>
    %dma_start3A_480 = tpu.memref_squeeze %dma_start3A_479 : memref<1x16x2048xf32, #tpu.memory_space<vmem>> -> memref<16x2048xf32, #tpu.memory_space<vmem>>
    tpu.enqueue_dma source(%dma_start3A_480 : memref<16x2048xf32, #tpu.memory_space<vmem>>) target(%dma_start3A_476 : memref<16x2048xf32, #tpu.memory_space<hbm>>) target_semaphore(%arg8 : memref<!tpu.dma_semaphore, #tpu.memory_space<semaphore_mem>>)
    %dma_wait3A_481 = arith.constant 1 : i32
    %dma_wait3A_482 = arith.constant 0 : i32
    %dma_wait3A_483 = arith.constant 0 : i32
    %dma_wait3A_484 = tpu.memref_slice %arg4[%dma_wait3A_481, %dma_wait3A_482, %dma_wait3A_483] : memref<2x16x2048xf32, #tpu.memory_space<vmem>> -> memref<1x16x2048xf32, #tpu.memory_space<vmem>>
    %dma_wait3A_485 = tpu.memref_squeeze %dma_wait3A_484 : memref<1x16x2048xf32, #tpu.memory_space<vmem>> -> memref<16x2048xf32, #tpu.memory_space<vmem>>
    %dma_wait3A_486 = arith.constant 0 : i32
    %dma_wait3A_487 = tpu.memref_slice %arg3[%add3A_50, %dma_wait3A_486] : memref<8192x2048xf32, #tpu.memory_space<hbm>> -> memref<16x2048xf32, #tpu.memory_space<hbm>>
    %dma_wait3A_488 = arith.constant 0 : i32
    %dma_wait3A_489 = tpu.memref_slice %arg3[%add3A_50, %dma_wait3A_488] : memref<8192x2048xf32, #tpu.memory_space<hbm>> -> memref<16x2048xf32, #tpu.memory_space<hbm>>
    %dma_wait3A_490 = arith.constant 0 : i32
    %dma_wait3A_491 = arith.constant 0 : i32
    %dma_wait3A_492 = tpu.memref_slice %arg4[%dma_wait3A_481, %dma_wait3A_490, %dma_wait3A_491] : memref<2x16x2048xf32, #tpu.memory_space<vmem>> -> memref<1x16x2048xf32, #tpu.memory_space<vmem>>
    %dma_wait3A_493 = tpu.memref_squeeze %dma_wait3A_492 : memref<1x16x2048xf32, #tpu.memory_space<vmem>> -> memref<16x2048xf32, #tpu.memory_space<vmem>>
    tpu.wait_dma2 semaphore(%arg8 : memref<!tpu.dma_semaphore, #tpu.memory_space<semaphore_mem>>) src(%dma_wait3A_493 : memref<16x2048xf32, #tpu.memory_space<vmem>>) dst(%dma_wait3A_489 : memref<16x2048xf32, #tpu.memory_space<hbm>>)
    %dma_start3A_494 = arith.constant 1 : i32
    %dma_start3A_495 = arith.constant 0 : i32
    %dma_start3A_496 = arith.constant 0 : i32
    %dma_start3A_497 = tpu.memref_slice %arg4[%dma_start3A_494, %dma_start3A_495, %dma_start3A_496] : memref<2x16x2048xf32, #tpu.memory_space<vmem>> -> memref<1x16x2048xf32, #tpu.memory_space<vmem>>
    %dma_start3A_498 = tpu.memref_squeeze %dma_start3A_497 : memref<1x16x2048xf32, #tpu.memory_space<vmem>> -> memref<16x2048xf32, #tpu.memory_space<vmem>>
    %dma_start3A_499 = arith.constant 0 : i32
    %dma_start3A_500 = tpu.memref_slice %arg2[%add3A_22, %dma_start3A_499] : memref<8192x2048xf32, #tpu.memory_space<hbm>> -> memref<16x2048xf32, #tpu.memory_space<hbm>>
    %dma_start3A_501 = arith.constant 0 : i32
    %dma_start3A_502 = arith.constant 0 : i32
    %dma_start3A_503 = tpu.memref_slice %arg4[%dma_start3A_494, %dma_start3A_501, %dma_start3A_502] : memref<2x16x2048xf32, #tpu.memory_space<vmem>> -> memref<1x16x2048xf32, #tpu.memory_space<vmem>>
    %dma_start3A_504 = tpu.memref_squeeze %dma_start3A_503 : memref<1x16x2048xf32, #tpu.memory_space<vmem>> -> memref<16x2048xf32, #tpu.memory_space<vmem>>
    %dma_start3A_505 = arith.constant 0 : i32
    %dma_start3A_506 = tpu.memref_slice %arg2[%add3A_22, %dma_start3A_505] : memref<8192x2048xf32, #tpu.memory_space<hbm>> -> memref<16x2048xf32, #tpu.memory_space<hbm>>
    tpu.enqueue_dma source(%dma_start3A_506 : memref<16x2048xf32, #tpu.memory_space<hbm>>) target(%dma_start3A_504 : memref<16x2048xf32, #tpu.memory_space<vmem>>) target_semaphore(%arg6 : memref<!tpu.dma_semaphore, #tpu.memory_space<semaphore_mem>>)
    %dma_wait3A_507 = arith.constant 0 : i32
    %dma_wait3A_508 = arith.constant 0 : i32
    %dma_wait3A_509 = arith.constant 0 : i32
    %dma_wait3A_510 = tpu.memref_slice %arg4[%dma_wait3A_507, %dma_wait3A_508, %dma_wait3A_509] : memref<2x16x2048xf32, #tpu.memory_space<vmem>> -> memref<1x16x2048xf32, #tpu.memory_space<vmem>>
    %dma_wait3A_511 = tpu.memref_squeeze %dma_wait3A_510 : memref<1x16x2048xf32, #tpu.memory_space<vmem>> -> memref<16x2048xf32, #tpu.memory_space<vmem>>
    %dma_wait3A_512 = arith.constant 0 : i32
    %dma_wait3A_513 = tpu.memref_slice %arg2[%add3A_20, %dma_wait3A_512] : memref<8192x2048xf32, #tpu.memory_space<hbm>> -> memref<16x2048xf32, #tpu.memory_space<hbm>>
    %dma_wait3A_514 = arith.constant 0 : i32
    %dma_wait3A_515 = arith.constant 0 : i32
    %dma_wait3A_516 = tpu.memref_slice %arg4[%dma_wait3A_507, %dma_wait3A_514, %dma_wait3A_515] : memref<2x16x2048xf32, #tpu.memory_space<vmem>> -> memref<1x16x2048xf32, #tpu.memory_space<vmem>>
    %dma_wait3A_517 = tpu.memref_squeeze %dma_wait3A_516 : memref<1x16x2048xf32, #tpu.memory_space<vmem>> -> memref<16x2048xf32, #tpu.memory_space<vmem>>
    %dma_wait3A_518 = arith.constant 0 : i32
    %dma_wait3A_519 = tpu.memref_slice %arg2[%add3A_20, %dma_wait3A_518] : memref<8192x2048xf32, #tpu.memory_space<hbm>> -> memref<16x2048xf32, #tpu.memory_space<hbm>>
    tpu.wait_dma2 semaphore(%arg5 : memref<!tpu.dma_semaphore, #tpu.memory_space<semaphore_mem>>) src(%dma_wait3A_519 : memref<16x2048xf32, #tpu.memory_space<hbm>>) dst(%dma_wait3A_517 : memref<16x2048xf32, #tpu.memory_space<vmem>>)
    %dma_start3A_520 = arith.constant 0 : i32
    %dma_start3A_521 = arith.constant 0 : i32
    %dma_start3A_522 = arith.constant 0 : i32
    %dma_start3A_523 = tpu.memref_slice %arg4[%dma_start3A_520, %dma_start3A_521, %dma_start3A_522] : memref<2x16x2048xf32, #tpu.memory_space<vmem>> -> memref<1x16x2048xf32, #tpu.memory_space<vmem>>
    %dma_start3A_524 = tpu.memref_squeeze %dma_start3A_523 : memref<1x16x2048xf32, #tpu.memory_space<vmem>> -> memref<16x2048xf32, #tpu.memory_space<vmem>>
    %dma_start3A_525 = arith.constant 0 : i32
    %dma_start3A_526 = tpu.memref_slice %arg3[%add3A_52, %dma_start3A_525] : memref<8192x2048xf32, #tpu.memory_space<hbm>> -> memref<16x2048xf32, #tpu.memory_space<hbm>>
    %dma_start3A_527 = arith.constant 0 : i32
    %dma_start3A_528 = tpu.memref_slice %arg3[%add3A_52, %dma_start3A_527] : memref<8192x2048xf32, #tpu.memory_space<hbm>> -> memref<16x2048xf32, #tpu.memory_space<hbm>>
    %dma_start3A_529 = arith.constant 0 : i32
    %dma_start3A_530 = arith.constant 0 : i32
    %dma_start3A_531 = tpu.memref_slice %arg4[%dma_start3A_520, %dma_start3A_529, %dma_start3A_530] : memref<2x16x2048xf32, #tpu.memory_space<vmem>> -> memref<1x16x2048xf32, #tpu.memory_space<vmem>>
    %dma_start3A_532 = tpu.memref_squeeze %dma_start3A_531 : memref<1x16x2048xf32, #tpu.memory_space<vmem>> -> memref<16x2048xf32, #tpu.memory_space<vmem>>
    tpu.enqueue_dma source(%dma_start3A_532 : memref<16x2048xf32, #tpu.memory_space<vmem>>) target(%dma_start3A_528 : memref<16x2048xf32, #tpu.memory_space<hbm>>) target_semaphore(%arg7 : memref<!tpu.dma_semaphore, #tpu.memory_space<semaphore_mem>>)
    %dma_wait3A_533 = arith.constant 0 : i32
    %dma_wait3A_534 = arith.constant 0 : i32
    %dma_wait3A_535 = arith.constant 0 : i32
    %dma_wait3A_536 = tpu.memref_slice %arg4[%dma_wait3A_533, %dma_wait3A_534, %dma_wait3A_535] : memref<2x16x2048xf32, #tpu.memory_space<vmem>> -> memref<1x16x2048xf32, #tpu.memory_space<vmem>>
    %dma_wait3A_537 = tpu.memref_squeeze %dma_wait3A_536 : memref<1x16x2048xf32, #tpu.memory_space<vmem>> -> memref<16x2048xf32, #tpu.memory_space<vmem>>
    %dma_wait3A_538 = arith.constant 0 : i32
    %dma_wait3A_539 = tpu.memref_slice %arg3[%add3A_52, %dma_wait3A_538] : memref<8192x2048xf32, #tpu.memory_space<hbm>> -> memref<16x2048xf32, #tpu.memory_space<hbm>>
    %dma_wait3A_540 = arith.constant 0 : i32
    %dma_wait3A_541 = tpu.memref_slice %arg3[%add3A_52, %dma_wait3A_540] : memref<8192x2048xf32, #tpu.memory_space<hbm>> -> memref<16x2048xf32, #tpu.memory_space<hbm>>
    %dma_wait3A_542 = arith.constant 0 : i32
    %dma_wait3A_543 = arith.constant 0 : i32
    %dma_wait3A_544 = tpu.memref_slice %arg4[%dma_wait3A_533, %dma_wait3A_542, %dma_wait3A_543] : memref<2x16x2048xf32, #tpu.memory_space<vmem>> -> memref<1x16x2048xf32, #tpu.memory_space<vmem>>
    %dma_wait3A_545 = tpu.memref_squeeze %dma_wait3A_544 : memref<1x16x2048xf32, #tpu.memory_space<vmem>> -> memref<16x2048xf32, #tpu.memory_space<vmem>>
    tpu.wait_dma2 semaphore(%arg7 : memref<!tpu.dma_semaphore, #tpu.memory_space<semaphore_mem>>) src(%dma_wait3A_545 : memref<16x2048xf32, #tpu.memory_space<vmem>>) dst(%dma_wait3A_541 : memref<16x2048xf32, #tpu.memory_space<hbm>>)
    %dma_start3A_546 = arith.constant 0 : i32
    %dma_start3A_547 = arith.constant 0 : i32
    %dma_start3A_548 = arith.constant 0 : i32
    %dma_start3A_549 = tpu.memref_slice %arg4[%dma_start3A_546, %dma_start3A_547, %dma_start3A_548] : memref<2x16x2048xf32, #tpu.memory_space<vmem>> -> memref<1x16x2048xf32, #tpu.memory_space<vmem>>
    %dma_start3A_550 = tpu.memref_squeeze %dma_start3A_549 : memref<1x16x2048xf32, #tpu.memory_space<vmem>> -> memref<16x2048xf32, #tpu.memory_space<vmem>>
    %dma_start3A_551 = arith.constant 0 : i32
    %dma_start3A_552 = tpu.memref_slice %arg2[%add3A_24, %dma_start3A_551] : memref<8192x2048xf32, #tpu.memory_space<hbm>> -> memref<16x2048xf32, #tpu.memory_space<hbm>>
    %dma_start3A_553 = arith.constant 0 : i32
    %dma_start3A_554 = arith.constant 0 : i32
    %dma_start3A_555 = tpu.memref_slice %arg4[%dma_start3A_546, %dma_start3A_553, %dma_start3A_554] : memref<2x16x2048xf32, #tpu.memory_space<vmem>> -> memref<1x16x2048xf32, #tpu.memory_space<vmem>>
    %dma_start3A_556 = tpu.memref_squeeze %dma_start3A_555 : memref<1x16x2048xf32, #tpu.memory_space<vmem>> -> memref<16x2048xf32, #tpu.memory_space<vmem>>
    %dma_start3A_557 = arith.constant 0 : i32
    %dma_start3A_558 = tpu.memref_slice %arg2[%add3A_24, %dma_start3A_557] : memref<8192x2048xf32, #tpu.memory_space<hbm>> -> memref<16x2048xf32, #tpu.memory_space<hbm>>
    tpu.enqueue_dma source(%dma_start3A_558 : memref<16x2048xf32, #tpu.memory_space<hbm>>) target(%dma_start3A_556 : memref<16x2048xf32, #tpu.memory_space<vmem>>) target_semaphore(%arg5 : memref<!tpu.dma_semaphore, #tpu.memory_space<semaphore_mem>>)
    %dma_wait3A_559 = arith.constant 1 : i32
    %dma_wait3A_560 = arith.constant 0 : i32
    %dma_wait3A_561 = arith.constant 0 : i32
    %dma_wait3A_562 = tpu.memref_slice %arg4[%dma_wait3A_559, %dma_wait3A_560, %dma_wait3A_561] : memref<2x16x2048xf32, #tpu.memory_space<vmem>> -> memref<1x16x2048xf32, #tpu.memory_space<vmem>>
    %dma_wait3A_563 = tpu.memref_squeeze %dma_wait3A_562 : memref<1x16x2048xf32, #tpu.memory_space<vmem>> -> memref<16x2048xf32, #tpu.memory_space<vmem>>
    %dma_wait3A_564 = arith.constant 0 : i32
    %dma_wait3A_565 = tpu.memref_slice %arg2[%add3A_22, %dma_wait3A_564] : memref<8192x2048xf32, #tpu.memory_space<hbm>> -> memref<16x2048xf32, #tpu.memory_space<hbm>>
    %dma_wait3A_566 = arith.constant 0 : i32
    %dma_wait3A_567 = arith.constant 0 : i32
    %dma_wait3A_568 = tpu.memref_slice %arg4[%dma_wait3A_559, %dma_wait3A_566, %dma_wait3A_567] : memref<2x16x2048xf32, #tpu.memory_space<vmem>> -> memref<1x16x2048xf32, #tpu.memory_space<vmem>>
    %dma_wait3A_569 = tpu.memref_squeeze %dma_wait3A_568 : memref<1x16x2048xf32, #tpu.memory_space<vmem>> -> memref<16x2048xf32, #tpu.memory_space<vmem>>
    %dma_wait3A_570 = arith.constant 0 : i32
    %dma_wait3A_571 = tpu.memref_slice %arg2[%add3A_22, %dma_wait3A_570] : memref<8192x2048xf32, #tpu.memory_space<hbm>> -> memref<16x2048xf32, #tpu.memory_space<hbm>>
    tpu.wait_dma2 semaphore(%arg6 : memref<!tpu.dma_semaphore, #tpu.memory_space<semaphore_mem>>) src(%dma_wait3A_571 : memref<16x2048xf32, #tpu.memory_space<hbm>>) dst(%dma_wait3A_569 : memref<16x2048xf32, #tpu.memory_space<vmem>>)
    %dma_start3A_572 = arith.constant 1 : i32
    %dma_start3A_573 = arith.constant 0 : i32
    %dma_start3A_574 = arith.constant 0 : i32
    %dma_start3A_575 = tpu.memref_slice %arg4[%dma_start3A_572, %dma_start3A_573, %dma_start3A_574] : memref<2x16x2048xf32, #tpu.memory_space<vmem>> -> memref<1x16x2048xf32, #tpu.memory_space<vmem>>
    %dma_start3A_576 = tpu.memref_squeeze %dma_start3A_575 : memref<1x16x2048xf32, #tpu.memory_space<vmem>> -> memref<16x2048xf32, #tpu.memory_space<vmem>>
    %dma_start3A_577 = arith.constant 0 : i32
    %dma_start3A_578 = tpu.memref_slice %arg3[%add3A_54, %dma_start3A_577] : memref<8192x2048xf32, #tpu.memory_space<hbm>> -> memref<16x2048xf32, #tpu.memory_space<hbm>>
    %dma_start3A_579 = arith.constant 0 : i32
    %dma_start3A_580 = tpu.memref_slice %arg3[%add3A_54, %dma_start3A_579] : memref<8192x2048xf32, #tpu.memory_space<hbm>> -> memref<16x2048xf32, #tpu.memory_space<hbm>>
    %dma_start3A_581 = arith.constant 0 : i32
    %dma_start3A_582 = arith.constant 0 : i32
    %dma_start3A_583 = tpu.memref_slice %arg4[%dma_start3A_572, %dma_start3A_581, %dma_start3A_582] : memref<2x16x2048xf32, #tpu.memory_space<vmem>> -> memref<1x16x2048xf32, #tpu.memory_space<vmem>>
    %dma_start3A_584 = tpu.memref_squeeze %dma_start3A_583 : memref<1x16x2048xf32, #tpu.memory_space<vmem>> -> memref<16x2048xf32, #tpu.memory_space<vmem>>
    tpu.enqueue_dma source(%dma_start3A_584 : memref<16x2048xf32, #tpu.memory_space<vmem>>) target(%dma_start3A_580 : memref<16x2048xf32, #tpu.memory_space<hbm>>) target_semaphore(%arg8 : memref<!tpu.dma_semaphore, #tpu.memory_space<semaphore_mem>>)
    %dma_wait3A_585 = arith.constant 1 : i32
    %dma_wait3A_586 = arith.constant 0 : i32
    %dma_wait3A_587 = arith.constant 0 : i32
    %dma_wait3A_588 = tpu.memref_slice %arg4[%dma_wait3A_585, %dma_wait3A_586, %dma_wait3A_587] : memref<2x16x2048xf32, #tpu.memory_space<vmem>> -> memref<1x16x2048xf32, #tpu.memory_space<vmem>>
    %dma_wait3A_589 = tpu.memref_squeeze %dma_wait3A_588 : memref<1x16x2048xf32, #tpu.memory_space<vmem>> -> memref<16x2048xf32, #tpu.memory_space<vmem>>
    %dma_wait3A_590 = arith.constant 0 : i32
    %dma_wait3A_591 = tpu.memref_slice %arg3[%add3A_54, %dma_wait3A_590] : memref<8192x2048xf32, #tpu.memory_space<hbm>> -> memref<16x2048xf32, #tpu.memory_space<hbm>>
    %dma_wait3A_592 = arith.constant 0 : i32
    %dma_wait3A_593 = tpu.memref_slice %arg3[%add3A_54, %dma_wait3A_592] : memref<8192x2048xf32, #tpu.memory_space<hbm>> -> memref<16x2048xf32, #tpu.memory_space<hbm>>
    %dma_wait3A_594 = arith.constant 0 : i32
    %dma_wait3A_595 = arith.constant 0 : i32
    %dma_wait3A_596 = tpu.memref_slice %arg4[%dma_wait3A_585, %dma_wait3A_594, %dma_wait3A_595] : memref<2x16x2048xf32, #tpu.memory_space<vmem>> -> memref<1x16x2048xf32, #tpu.memory_space<vmem>>
    %dma_wait3A_597 = tpu.memref_squeeze %dma_wait3A_596 : memref<1x16x2048xf32, #tpu.memory_space<vmem>> -> memref<16x2048xf32, #tpu.memory_space<vmem>>
    tpu.wait_dma2 semaphore(%arg8 : memref<!tpu.dma_semaphore, #tpu.memory_space<semaphore_mem>>) src(%dma_wait3A_597 : memref<16x2048xf32, #tpu.memory_space<vmem>>) dst(%dma_wait3A_593 : memref<16x2048xf32, #tpu.memory_space<hbm>>)
    %dma_start3A_598 = arith.constant 1 : i32
    %dma_start3A_599 = arith.constant 0 : i32
    %dma_start3A_600 = arith.constant 0 : i32
    %dma_start3A_601 = tpu.memref_slice %arg4[%dma_start3A_598, %dma_start3A_599, %dma_start3A_600] : memref<2x16x2048xf32, #tpu.memory_space<vmem>> -> memref<1x16x2048xf32, #tpu.memory_space<vmem>>
    %dma_start3A_602 = tpu.memref_squeeze %dma_start3A_601 : memref<1x16x2048xf32, #tpu.memory_space<vmem>> -> memref<16x2048xf32, #tpu.memory_space<vmem>>
    %dma_start3A_603 = arith.constant 0 : i32
    %dma_start3A_604 = tpu.memref_slice %arg2[%add3A_26, %dma_start3A_603] : memref<8192x2048xf32, #tpu.memory_space<hbm>> -> memref<16x2048xf32, #tpu.memory_space<hbm>>
    %dma_start3A_605 = arith.constant 0 : i32
    %dma_start3A_606 = arith.constant 0 : i32
    %dma_start3A_607 = tpu.memref_slice %arg4[%dma_start3A_598, %dma_start3A_605, %dma_start3A_606] : memref<2x16x2048xf32, #tpu.memory_space<vmem>> -> memref<1x16x2048xf32, #tpu.memory_space<vmem>>
    %dma_start3A_608 = tpu.memref_squeeze %dma_start3A_607 : memref<1x16x2048xf32, #tpu.memory_space<vmem>> -> memref<16x2048xf32, #tpu.memory_space<vmem>>
    %dma_start3A_609 = arith.constant 0 : i32
    %dma_start3A_610 = tpu.memref_slice %arg2[%add3A_26, %dma_start3A_609] : memref<8192x2048xf32, #tpu.memory_space<hbm>> -> memref<16x2048xf32, #tpu.memory_space<hbm>>
    tpu.enqueue_dma source(%dma_start3A_610 : memref<16x2048xf32, #tpu.memory_space<hbm>>) target(%dma_start3A_608 : memref<16x2048xf32, #tpu.memory_space<vmem>>) target_semaphore(%arg6 : memref<!tpu.dma_semaphore, #tpu.memory_space<semaphore_mem>>)
    %dma_wait3A_611 = arith.constant 0 : i32
    %dma_wait3A_612 = arith.constant 0 : i32
    %dma_wait3A_613 = arith.constant 0 : i32
    %dma_wait3A_614 = tpu.memref_slice %arg4[%dma_wait3A_611, %dma_wait3A_612, %dma_wait3A_613] : memref<2x16x2048xf32, #tpu.memory_space<vmem>> -> memref<1x16x2048xf32, #tpu.memory_space<vmem>>
    %dma_wait3A_615 = tpu.memref_squeeze %dma_wait3A_614 : memref<1x16x2048xf32, #tpu.memory_space<vmem>> -> memref<16x2048xf32, #tpu.memory_space<vmem>>
    %dma_wait3A_616 = arith.constant 0 : i32
    %dma_wait3A_617 = tpu.memref_slice %arg2[%add3A_24, %dma_wait3A_616] : memref<8192x2048xf32, #tpu.memory_space<hbm>> -> memref<16x2048xf32, #tpu.memory_space<hbm>>
    %dma_wait3A_618 = arith.constant 0 : i32
    %dma_wait3A_619 = arith.constant 0 : i32
    %dma_wait3A_620 = tpu.memref_slice %arg4[%dma_wait3A_611, %dma_wait3A_618, %dma_wait3A_619] : memref<2x16x2048xf32, #tpu.memory_space<vmem>> -> memref<1x16x2048xf32, #tpu.memory_space<vmem>>
    %dma_wait3A_621 = tpu.memref_squeeze %dma_wait3A_620 : memref<1x16x2048xf32, #tpu.memory_space<vmem>> -> memref<16x2048xf32, #tpu.memory_space<vmem>>
    %dma_wait3A_622 = arith.constant 0 : i32
    %dma_wait3A_623 = tpu.memref_slice %arg2[%add3A_24, %dma_wait3A_622] : memref<8192x2048xf32, #tpu.memory_space<hbm>> -> memref<16x2048xf32, #tpu.memory_space<hbm>>
    tpu.wait_dma2 semaphore(%arg5 : memref<!tpu.dma_semaphore, #tpu.memory_space<semaphore_mem>>) src(%dma_wait3A_623 : memref<16x2048xf32, #tpu.memory_space<hbm>>) dst(%dma_wait3A_621 : memref<16x2048xf32, #tpu.memory_space<vmem>>)
    %dma_start3A_624 = arith.constant 0 : i32
    %dma_start3A_625 = arith.constant 0 : i32
    %dma_start3A_626 = arith.constant 0 : i32
    %dma_start3A_627 = tpu.memref_slice %arg4[%dma_start3A_624, %dma_start3A_625, %dma_start3A_626] : memref<2x16x2048xf32, #tpu.memory_space<vmem>> -> memref<1x16x2048xf32, #tpu.memory_space<vmem>>
    %dma_start3A_628 = tpu.memref_squeeze %dma_start3A_627 : memref<1x16x2048xf32, #tpu.memory_space<vmem>> -> memref<16x2048xf32, #tpu.memory_space<vmem>>
    %dma_start3A_629 = arith.constant 0 : i32
    %dma_start3A_630 = tpu.memref_slice %arg3[%add3A_56, %dma_start3A_629] : memref<8192x2048xf32, #tpu.memory_space<hbm>> -> memref<16x2048xf32, #tpu.memory_space<hbm>>
    %dma_start3A_631 = arith.constant 0 : i32
    %dma_start3A_632 = tpu.memref_slice %arg3[%add3A_56, %dma_start3A_631] : memref<8192x2048xf32, #tpu.memory_space<hbm>> -> memref<16x2048xf32, #tpu.memory_space<hbm>>
    %dma_start3A_633 = arith.constant 0 : i32
    %dma_start3A_634 = arith.constant 0 : i32
    %dma_start3A_635 = tpu.memref_slice %arg4[%dma_start3A_624, %dma_start3A_633, %dma_start3A_634] : memref<2x16x2048xf32, #tpu.memory_space<vmem>> -> memref<1x16x2048xf32, #tpu.memory_space<vmem>>
    %dma_start3A_636 = tpu.memref_squeeze %dma_start3A_635 : memref<1x16x2048xf32, #tpu.memory_space<vmem>> -> memref<16x2048xf32, #tpu.memory_space<vmem>>
    tpu.enqueue_dma source(%dma_start3A_636 : memref<16x2048xf32, #tpu.memory_space<vmem>>) target(%dma_start3A_632 : memref<16x2048xf32, #tpu.memory_space<hbm>>) target_semaphore(%arg7 : memref<!tpu.dma_semaphore, #tpu.memory_space<semaphore_mem>>)
    %dma_wait3A_637 = arith.constant 0 : i32
    %dma_wait3A_638 = arith.constant 0 : i32
    %dma_wait3A_639 = arith.constant 0 : i32
    %dma_wait3A_640 = tpu.memref_slice %arg4[%dma_wait3A_637, %dma_wait3A_638, %dma_wait3A_639] : memref<2x16x2048xf32, #tpu.memory_space<vmem>> -> memref<1x16x2048xf32, #tpu.memory_space<vmem>>
    %dma_wait3A_641 = tpu.memref_squeeze %dma_wait3A_640 : memref<1x16x2048xf32, #tpu.memory_space<vmem>> -> memref<16x2048xf32, #tpu.memory_space<vmem>>
    %dma_wait3A_642 = arith.constant 0 : i32
    %dma_wait3A_643 = tpu.memref_slice %arg3[%add3A_56, %dma_wait3A_642] : memref<8192x2048xf32, #tpu.memory_space<hbm>> -> memref<16x2048xf32, #tpu.memory_space<hbm>>
    %dma_wait3A_644 = arith.constant 0 : i32
    %dma_wait3A_645 = tpu.memref_slice %arg3[%add3A_56, %dma_wait3A_644] : memref<8192x2048xf32, #tpu.memory_space<hbm>> -> memref<16x2048xf32, #tpu.memory_space<hbm>>
    %dma_wait3A_646 = arith.constant 0 : i32
    %dma_wait3A_647 = arith.constant 0 : i32
    %dma_wait3A_648 = tpu.memref_slice %arg4[%dma_wait3A_637, %dma_wait3A_646, %dma_wait3A_647] : memref<2x16x2048xf32, #tpu.memory_space<vmem>> -> memref<1x16x2048xf32, #tpu.memory_space<vmem>>
    %dma_wait3A_649 = tpu.memref_squeeze %dma_wait3A_648 : memref<1x16x2048xf32, #tpu.memory_space<vmem>> -> memref<16x2048xf32, #tpu.memory_space<vmem>>
    tpu.wait_dma2 semaphore(%arg7 : memref<!tpu.dma_semaphore, #tpu.memory_space<semaphore_mem>>) src(%dma_wait3A_649 : memref<16x2048xf32, #tpu.memory_space<vmem>>) dst(%dma_wait3A_645 : memref<16x2048xf32, #tpu.memory_space<hbm>>)
    %dma_start3A_650 = arith.constant 0 : i32
    %dma_start3A_651 = arith.constant 0 : i32
    %dma_start3A_652 = arith.constant 0 : i32
    %dma_start3A_653 = tpu.memref_slice %arg4[%dma_start3A_650, %dma_start3A_651, %dma_start3A_652] : memref<2x16x2048xf32, #tpu.memory_space<vmem>> -> memref<1x16x2048xf32, #tpu.memory_space<vmem>>
    %dma_start3A_654 = tpu.memref_squeeze %dma_start3A_653 : memref<1x16x2048xf32, #tpu.memory_space<vmem>> -> memref<16x2048xf32, #tpu.memory_space<vmem>>
    %dma_start3A_655 = arith.constant 0 : i32
    %dma_start3A_656 = tpu.memref_slice %arg2[%add3A_28, %dma_start3A_655] : memref<8192x2048xf32, #tpu.memory_space<hbm>> -> memref<16x2048xf32, #tpu.memory_space<hbm>>
    %dma_start3A_657 = arith.constant 0 : i32
    %dma_start3A_658 = arith.constant 0 : i32
    %dma_start3A_659 = tpu.memref_slice %arg4[%dma_start3A_650, %dma_start3A_657, %dma_start3A_658] : memref<2x16x2048xf32, #tpu.memory_space<vmem>> -> memref<1x16x2048xf32, #tpu.memory_space<vmem>>
    %dma_start3A_660 = tpu.memref_squeeze %dma_start3A_659 : memref<1x16x2048xf32, #tpu.memory_space<vmem>> -> memref<16x2048xf32, #tpu.memory_space<vmem>>
    %dma_start3A_661 = arith.constant 0 : i32
    %dma_start3A_662 = tpu.memref_slice %arg2[%add3A_28, %dma_start3A_661] : memref<8192x2048xf32, #tpu.memory_space<hbm>> -> memref<16x2048xf32, #tpu.memory_space<hbm>>
    tpu.enqueue_dma source(%dma_start3A_662 : memref<16x2048xf32, #tpu.memory_space<hbm>>) target(%dma_start3A_660 : memref<16x2048xf32, #tpu.memory_space<vmem>>) target_semaphore(%arg5 : memref<!tpu.dma_semaphore, #tpu.memory_space<semaphore_mem>>)
    %dma_wait3A_663 = arith.constant 1 : i32
    %dma_wait3A_664 = arith.constant 0 : i32
    %dma_wait3A_665 = arith.constant 0 : i32
    %dma_wait3A_666 = tpu.memref_slice %arg4[%dma_wait3A_663, %dma_wait3A_664, %dma_wait3A_665] : memref<2x16x2048xf32, #tpu.memory_space<vmem>> -> memref<1x16x2048xf32, #tpu.memory_space<vmem>>
    %dma_wait3A_667 = tpu.memref_squeeze %dma_wait3A_666 : memref<1x16x2048xf32, #tpu.memory_space<vmem>> -> memref<16x2048xf32, #tpu.memory_space<vmem>>
    %dma_wait3A_668 = arith.constant 0 : i32
    %dma_wait3A_669 = tpu.memref_slice %arg2[%add3A_26, %dma_wait3A_668] : memref<8192x2048xf32, #tpu.memory_space<hbm>> -> memref<16x2048xf32, #tpu.memory_space<hbm>>
    %dma_wait3A_670 = arith.constant 0 : i32
    %dma_wait3A_671 = arith.constant 0 : i32
    %dma_wait3A_672 = tpu.memref_slice %arg4[%dma_wait3A_663, %dma_wait3A_670, %dma_wait3A_671] : memref<2x16x2048xf32, #tpu.memory_space<vmem>> -> memref<1x16x2048xf32, #tpu.memory_space<vmem>>
    %dma_wait3A_673 = tpu.memref_squeeze %dma_wait3A_672 : memref<1x16x2048xf32, #tpu.memory_space<vmem>> -> memref<16x2048xf32, #tpu.memory_space<vmem>>
    %dma_wait3A_674 = arith.constant 0 : i32
    %dma_wait3A_675 = tpu.memref_slice %arg2[%add3A_26, %dma_wait3A_674] : memref<8192x2048xf32, #tpu.memory_space<hbm>> -> memref<16x2048xf32, #tpu.memory_space<hbm>>
    tpu.wait_dma2 semaphore(%arg6 : memref<!tpu.dma_semaphore, #tpu.memory_space<semaphore_mem>>) src(%dma_wait3A_675 : memref<16x2048xf32, #tpu.memory_space<hbm>>) dst(%dma_wait3A_673 : memref<16x2048xf32, #tpu.memory_space<vmem>>)
    %dma_start3A_676 = arith.constant 1 : i32
    %dma_start3A_677 = arith.constant 0 : i32
    %dma_start3A_678 = arith.constant 0 : i32
    %dma_start3A_679 = tpu.memref_slice %arg4[%dma_start3A_676, %dma_start3A_677, %dma_start3A_678] : memref<2x16x2048xf32, #tpu.memory_space<vmem>> -> memref<1x16x2048xf32, #tpu.memory_space<vmem>>
    %dma_start3A_680 = tpu.memref_squeeze %dma_start3A_679 : memref<1x16x2048xf32, #tpu.memory_space<vmem>> -> memref<16x2048xf32, #tpu.memory_space<vmem>>
    %dma_start3A_681 = arith.constant 0 : i32
    %dma_start3A_682 = tpu.memref_slice %arg3[%add3A_58, %dma_start3A_681] : memref<8192x2048xf32, #tpu.memory_space<hbm>> -> memref<16x2048xf32, #tpu.memory_space<hbm>>
    %dma_start3A_683 = arith.constant 0 : i32
    %dma_start3A_684 = tpu.memref_slice %arg3[%add3A_58, %dma_start3A_683] : memref<8192x2048xf32, #tpu.memory_space<hbm>> -> memref<16x2048xf32, #tpu.memory_space<hbm>>
    %dma_start3A_685 = arith.constant 0 : i32
    %dma_start3A_686 = arith.constant 0 : i32
    %dma_start3A_687 = tpu.memref_slice %arg4[%dma_start3A_676, %dma_start3A_685, %dma_start3A_686] : memref<2x16x2048xf32, #tpu.memory_space<vmem>> -> memref<1x16x2048xf32, #tpu.memory_space<vmem>>
    %dma_start3A_688 = tpu.memref_squeeze %dma_start3A_687 : memref<1x16x2048xf32, #tpu.memory_space<vmem>> -> memref<16x2048xf32, #tpu.memory_space<vmem>>
    tpu.enqueue_dma source(%dma_start3A_688 : memref<16x2048xf32, #tpu.memory_space<vmem>>) target(%dma_start3A_684 : memref<16x2048xf32, #tpu.memory_space<hbm>>) target_semaphore(%arg8 : memref<!tpu.dma_semaphore, #tpu.memory_space<semaphore_mem>>)
    %dma_wait3A_689 = arith.constant 1 : i32
    %dma_wait3A_690 = arith.constant 0 : i32
    %dma_wait3A_691 = arith.constant 0 : i32
    %dma_wait3A_692 = tpu.memref_slice %arg4[%dma_wait3A_689, %dma_wait3A_690, %dma_wait3A_691] : memref<2x16x2048xf32, #tpu.memory_space<vmem>> -> memref<1x16x2048xf32, #tpu.memory_space<vmem>>
    %dma_wait3A_693 = tpu.memref_squeeze %dma_wait3A_692 : memref<1x16x2048xf32, #tpu.memory_space<vmem>> -> memref<16x2048xf32, #tpu.memory_space<vmem>>
    %dma_wait3A_694 = arith.constant 0 : i32
    %dma_wait3A_695 = tpu.memref_slice %arg3[%add3A_58, %dma_wait3A_694] : memref<8192x2048xf32, #tpu.memory_space<hbm>> -> memref<16x2048xf32, #tpu.memory_space<hbm>>
    %dma_wait3A_696 = arith.constant 0 : i32
    %dma_wait3A_697 = tpu.memref_slice %arg3[%add3A_58, %dma_wait3A_696] : memref<8192x2048xf32, #tpu.memory_space<hbm>> -> memref<16x2048xf32, #tpu.memory_space<hbm>>
    %dma_wait3A_698 = arith.constant 0 : i32
    %dma_wait3A_699 = arith.constant 0 : i32
    %dma_wait3A_700 = tpu.memref_slice %arg4[%dma_wait3A_689, %dma_wait3A_698, %dma_wait3A_699] : memref<2x16x2048xf32, #tpu.memory_space<vmem>> -> memref<1x16x2048xf32, #tpu.memory_space<vmem>>
    %dma_wait3A_701 = tpu.memref_squeeze %dma_wait3A_700 : memref<1x16x2048xf32, #tpu.memory_space<vmem>> -> memref<16x2048xf32, #tpu.memory_space<vmem>>
    tpu.wait_dma2 semaphore(%arg8 : memref<!tpu.dma_semaphore, #tpu.memory_space<semaphore_mem>>) src(%dma_wait3A_701 : memref<16x2048xf32, #tpu.memory_space<vmem>>) dst(%dma_wait3A_697 : memref<16x2048xf32, #tpu.memory_space<hbm>>)
    %dma_start3A_702 = arith.constant 1 : i32
    %dma_start3A_703 = arith.constant 0 : i32
    %dma_start3A_704 = arith.constant 0 : i32
    %dma_start3A_705 = tpu.memref_slice %arg4[%dma_start3A_702, %dma_start3A_703, %dma_start3A_704] : memref<2x16x2048xf32, #tpu.memory_space<vmem>> -> memref<1x16x2048xf32, #tpu.memory_space<vmem>>
    %dma_start3A_706 = tpu.memref_squeeze %dma_start3A_705 : memref<1x16x2048xf32, #tpu.memory_space<vmem>> -> memref<16x2048xf32, #tpu.memory_space<vmem>>
    %dma_start3A_707 = arith.constant 0 : i32
    %dma_start3A_708 = tpu.memref_slice %arg2[%add3A_30, %dma_start3A_707] : memref<8192x2048xf32, #tpu.memory_space<hbm>> -> memref<16x2048xf32, #tpu.memory_space<hbm>>
    %dma_start3A_709 = arith.constant 0 : i32
    %dma_start3A_710 = arith.constant 0 : i32
    %dma_start3A_711 = tpu.memref_slice %arg4[%dma_start3A_702, %dma_start3A_709, %dma_start3A_710] : memref<2x16x2048xf32, #tpu.memory_space<vmem>> -> memref<1x16x2048xf32, #tpu.memory_space<vmem>>
    %dma_start3A_712 = tpu.memref_squeeze %dma_start3A_711 : memref<1x16x2048xf32, #tpu.memory_space<vmem>> -> memref<16x2048xf32, #tpu.memory_space<vmem>>
    %dma_start3A_713 = arith.constant 0 : i32
    %dma_start3A_714 = tpu.memref_slice %arg2[%add3A_30, %dma_start3A_713] : memref<8192x2048xf32, #tpu.memory_space<hbm>> -> memref<16x2048xf32, #tpu.memory_space<hbm>>
    tpu.enqueue_dma source(%dma_start3A_714 : memref<16x2048xf32, #tpu.memory_space<hbm>>) target(%dma_start3A_712 : memref<16x2048xf32, #tpu.memory_space<vmem>>) target_semaphore(%arg6 : memref<!tpu.dma_semaphore, #tpu.memory_space<semaphore_mem>>)
    %dma_wait3A_715 = arith.constant 0 : i32
    %dma_wait3A_716 = arith.constant 0 : i32
    %dma_wait3A_717 = arith.constant 0 : i32
    %dma_wait3A_718 = tpu.memref_slice %arg4[%dma_wait3A_715, %dma_wait3A_716, %dma_wait3A_717] : memref<2x16x2048xf32, #tpu.memory_space<vmem>> -> memref<1x16x2048xf32, #tpu.memory_space<vmem>>
    %dma_wait3A_719 = tpu.memref_squeeze %dma_wait3A_718 : memref<1x16x2048xf32, #tpu.memory_space<vmem>> -> memref<16x2048xf32, #tpu.memory_space<vmem>>
    %dma_wait3A_720 = arith.constant 0 : i32
    %dma_wait3A_721 = tpu.memref_slice %arg2[%add3A_28, %dma_wait3A_720] : memref<8192x2048xf32, #tpu.memory_space<hbm>> -> memref<16x2048xf32, #tpu.memory_space<hbm>>
    %dma_wait3A_722 = arith.constant 0 : i32
    %dma_wait3A_723 = arith.constant 0 : i32
    %dma_wait3A_724 = tpu.memref_slice %arg4[%dma_wait3A_715, %dma_wait3A_722, %dma_wait3A_723] : memref<2x16x2048xf32, #tpu.memory_space<vmem>> -> memref<1x16x2048xf32, #tpu.memory_space<vmem>>
    %dma_wait3A_725 = tpu.memref_squeeze %dma_wait3A_724 : memref<1x16x2048xf32, #tpu.memory_space<vmem>> -> memref<16x2048xf32, #tpu.memory_space<vmem>>
    %dma_wait3A_726 = arith.constant 0 : i32
    %dma_wait3A_727 = tpu.memref_slice %arg2[%add3A_28, %dma_wait3A_726] : memref<8192x2048xf32, #tpu.memory_space<hbm>> -> memref<16x2048xf32, #tpu.memory_space<hbm>>
    tpu.wait_dma2 semaphore(%arg5 : memref<!tpu.dma_semaphore, #tpu.memory_space<semaphore_mem>>) src(%dma_wait3A_727 : memref<16x2048xf32, #tpu.memory_space<hbm>>) dst(%dma_wait3A_725 : memref<16x2048xf32, #tpu.memory_space<vmem>>)
    %dma_start3A_728 = arith.constant 0 : i32
    %dma_start3A_729 = arith.constant 0 : i32
    %dma_start3A_730 = arith.constant 0 : i32
    %dma_start3A_731 = tpu.memref_slice %arg4[%dma_start3A_728, %dma_start3A_729, %dma_start3A_730] : memref<2x16x2048xf32, #tpu.memory_space<vmem>> -> memref<1x16x2048xf32, #tpu.memory_space<vmem>>
    %dma_start3A_732 = tpu.memref_squeeze %dma_start3A_731 : memref<1x16x2048xf32, #tpu.memory_space<vmem>> -> memref<16x2048xf32, #tpu.memory_space<vmem>>
    %dma_start3A_733 = arith.constant 0 : i32
    %dma_start3A_734 = tpu.memref_slice %arg3[%add3A_60, %dma_start3A_733] : memref<8192x2048xf32, #tpu.memory_space<hbm>> -> memref<16x2048xf32, #tpu.memory_space<hbm>>
    %dma_start3A_735 = arith.constant 0 : i32
    %dma_start3A_736 = tpu.memref_slice %arg3[%add3A_60, %dma_start3A_735] : memref<8192x2048xf32, #tpu.memory_space<hbm>> -> memref<16x2048xf32, #tpu.memory_space<hbm>>
    %dma_start3A_737 = arith.constant 0 : i32
    %dma_start3A_738 = arith.constant 0 : i32
    %dma_start3A_739 = tpu.memref_slice %arg4[%dma_start3A_728, %dma_start3A_737, %dma_start3A_738] : memref<2x16x2048xf32, #tpu.memory_space<vmem>> -> memref<1x16x2048xf32, #tpu.memory_space<vmem>>
    %dma_start3A_740 = tpu.memref_squeeze %dma_start3A_739 : memref<1x16x2048xf32, #tpu.memory_space<vmem>> -> memref<16x2048xf32, #tpu.memory_space<vmem>>
    tpu.enqueue_dma source(%dma_start3A_740 : memref<16x2048xf32, #tpu.memory_space<vmem>>) target(%dma_start3A_736 : memref<16x2048xf32, #tpu.memory_space<hbm>>) target_semaphore(%arg7 : memref<!tpu.dma_semaphore, #tpu.memory_space<semaphore_mem>>)
    %dma_wait3A_741 = arith.constant 0 : i32
    %dma_wait3A_742 = arith.constant 0 : i32
    %dma_wait3A_743 = arith.constant 0 : i32
    %dma_wait3A_744 = tpu.memref_slice %arg4[%dma_wait3A_741, %dma_wait3A_742, %dma_wait3A_743] : memref<2x16x2048xf32, #tpu.memory_space<vmem>> -> memref<1x16x2048xf32, #tpu.memory_space<vmem>>
    %dma_wait3A_745 = tpu.memref_squeeze %dma_wait3A_744 : memref<1x16x2048xf32, #tpu.memory_space<vmem>> -> memref<16x2048xf32, #tpu.memory_space<vmem>>
    %dma_wait3A_746 = arith.constant 0 : i32
    %dma_wait3A_747 = tpu.memref_slice %arg3[%add3A_60, %dma_wait3A_746] : memref<8192x2048xf32, #tpu.memory_space<hbm>> -> memref<16x2048xf32, #tpu.memory_space<hbm>>
    %dma_wait3A_748 = arith.constant 0 : i32
    %dma_wait3A_749 = tpu.memref_slice %arg3[%add3A_60, %dma_wait3A_748] : memref<8192x2048xf32, #tpu.memory_space<hbm>> -> memref<16x2048xf32, #tpu.memory_space<hbm>>
    %dma_wait3A_750 = arith.constant 0 : i32
    %dma_wait3A_751 = arith.constant 0 : i32
    %dma_wait3A_752 = tpu.memref_slice %arg4[%dma_wait3A_741, %dma_wait3A_750, %dma_wait3A_751] : memref<2x16x2048xf32, #tpu.memory_space<vmem>> -> memref<1x16x2048xf32, #tpu.memory_space<vmem>>
    %dma_wait3A_753 = tpu.memref_squeeze %dma_wait3A_752 : memref<1x16x2048xf32, #tpu.memory_space<vmem>> -> memref<16x2048xf32, #tpu.memory_space<vmem>>
    tpu.wait_dma2 semaphore(%arg7 : memref<!tpu.dma_semaphore, #tpu.memory_space<semaphore_mem>>) src(%dma_wait3A_753 : memref<16x2048xf32, #tpu.memory_space<vmem>>) dst(%dma_wait3A_749 : memref<16x2048xf32, #tpu.memory_space<hbm>>)
    %dma_start3A_754 = arith.constant 0 : i32
    %dma_start3A_755 = arith.constant 0 : i32
    %dma_start3A_756 = arith.constant 0 : i32
    %dma_start3A_757 = tpu.memref_slice %arg4[%dma_start3A_754, %dma_start3A_755, %dma_start3A_756] : memref<2x16x2048xf32, #tpu.memory_space<vmem>> -> memref<1x16x2048xf32, #tpu.memory_space<vmem>>
    %dma_start3A_758 = tpu.memref_squeeze %dma_start3A_757 : memref<1x16x2048xf32, #tpu.memory_space<vmem>> -> memref<16x2048xf32, #tpu.memory_space<vmem>>
    %dma_start3A_759 = arith.constant 0 : i32
    %dma_start3A_760 = tpu.memref_slice %arg2[%add3A_32, %dma_start3A_759] : memref<8192x2048xf32, #tpu.memory_space<hbm>> -> memref<16x2048xf32, #tpu.memory_space<hbm>>
    %dma_start3A_761 = arith.constant 0 : i32
    %dma_start3A_762 = arith.constant 0 : i32
    %dma_start3A_763 = tpu.memref_slice %arg4[%dma_start3A_754, %dma_start3A_761, %dma_start3A_762] : memref<2x16x2048xf32, #tpu.memory_space<vmem>> -> memref<1x16x2048xf32, #tpu.memory_space<vmem>>
    %dma_start3A_764 = tpu.memref_squeeze %dma_start3A_763 : memref<1x16x2048xf32, #tpu.memory_space<vmem>> -> memref<16x2048xf32, #tpu.memory_space<vmem>>
    %dma_start3A_765 = arith.constant 0 : i32
    %dma_start3A_766 = tpu.memref_slice %arg2[%add3A_32, %dma_start3A_765] : memref<8192x2048xf32, #tpu.memory_space<hbm>> -> memref<16x2048xf32, #tpu.memory_space<hbm>>
    tpu.enqueue_dma source(%dma_start3A_766 : memref<16x2048xf32, #tpu.memory_space<hbm>>) target(%dma_start3A_764 : memref<16x2048xf32, #tpu.memory_space<vmem>>) target_semaphore(%arg5 : memref<!tpu.dma_semaphore, #tpu.memory_space<semaphore_mem>>)
    %dma_wait3A_767 = arith.constant 1 : i32
    %dma_wait3A_768 = arith.constant 0 : i32
    %dma_wait3A_769 = arith.constant 0 : i32
    %dma_wait3A_770 = tpu.memref_slice %arg4[%dma_wait3A_767, %dma_wait3A_768, %dma_wait3A_769] : memref<2x16x2048xf32, #tpu.memory_space<vmem>> -> memref<1x16x2048xf32, #tpu.memory_space<vmem>>
    %dma_wait3A_771 = tpu.memref_squeeze %dma_wait3A_770 : memref<1x16x2048xf32, #tpu.memory_space<vmem>> -> memref<16x2048xf32, #tpu.memory_space<vmem>>
    %dma_wait3A_772 = arith.constant 0 : i32
    %dma_wait3A_773 = tpu.memref_slice %arg2[%add3A_30, %dma_wait3A_772] : memref<8192x2048xf32, #tpu.memory_space<hbm>> -> memref<16x2048xf32, #tpu.memory_space<hbm>>
    %dma_wait3A_774 = arith.constant 0 : i32
    %dma_wait3A_775 = arith.constant 0 : i32
    %dma_wait3A_776 = tpu.memref_slice %arg4[%dma_wait3A_767, %dma_wait3A_774, %dma_wait3A_775] : memref<2x16x2048xf32, #tpu.memory_space<vmem>> -> memref<1x16x2048xf32, #tpu.memory_space<vmem>>
    %dma_wait3A_777 = tpu.memref_squeeze %dma_wait3A_776 : memref<1x16x2048xf32, #tpu.memory_space<vmem>> -> memref<16x2048xf32, #tpu.memory_space<vmem>>
    %dma_wait3A_778 = arith.constant 0 : i32
    %dma_wait3A_779 = tpu.memref_slice %arg2[%add3A_30, %dma_wait3A_778] : memref<8192x2048xf32, #tpu.memory_space<hbm>> -> memref<16x2048xf32, #tpu.memory_space<hbm>>
    tpu.wait_dma2 semaphore(%arg6 : memref<!tpu.dma_semaphore, #tpu.memory_space<semaphore_mem>>) src(%dma_wait3A_779 : memref<16x2048xf32, #tpu.memory_space<hbm>>) dst(%dma_wait3A_777 : memref<16x2048xf32, #tpu.memory_space<vmem>>)
    %dma_start3A_780 = arith.constant 1 : i32
    %dma_start3A_781 = arith.constant 0 : i32
    %dma_start3A_782 = arith.constant 0 : i32
    %dma_start3A_783 = tpu.memref_slice %arg4[%dma_start3A_780, %dma_start3A_781, %dma_start3A_782] : memref<2x16x2048xf32, #tpu.memory_space<vmem>> -> memref<1x16x2048xf32, #tpu.memory_space<vmem>>
    %dma_start3A_784 = tpu.memref_squeeze %dma_start3A_783 : memref<1x16x2048xf32, #tpu.memory_space<vmem>> -> memref<16x2048xf32, #tpu.memory_space<vmem>>
    %dma_start3A_785 = arith.constant 0 : i32
    %dma_start3A_786 = tpu.memref_slice %arg3[%add3A_62, %dma_start3A_785] : memref<8192x2048xf32, #tpu.memory_space<hbm>> -> memref<16x2048xf32, #tpu.memory_space<hbm>>
    %dma_start3A_787 = arith.constant 0 : i32
    %dma_start3A_788 = tpu.memref_slice %arg3[%add3A_62, %dma_start3A_787] : memref<8192x2048xf32, #tpu.memory_space<hbm>> -> memref<16x2048xf32, #tpu.memory_space<hbm>>
    %dma_start3A_789 = arith.constant 0 : i32
    %dma_start3A_790 = arith.constant 0 : i32
    %dma_start3A_791 = tpu.memref_slice %arg4[%dma_start3A_780, %dma_start3A_789, %dma_start3A_790] : memref<2x16x2048xf32, #tpu.memory_space<vmem>> -> memref<1x16x2048xf32, #tpu.memory_space<vmem>>
    %dma_start3A_792 = tpu.memref_squeeze %dma_start3A_791 : memref<1x16x2048xf32, #tpu.memory_space<vmem>> -> memref<16x2048xf32, #tpu.memory_space<vmem>>
    tpu.enqueue_dma source(%dma_start3A_792 : memref<16x2048xf32, #tpu.memory_space<vmem>>) target(%dma_start3A_788 : memref<16x2048xf32, #tpu.memory_space<hbm>>) target_semaphore(%arg8 : memref<!tpu.dma_semaphore, #tpu.memory_space<semaphore_mem>>)
    %dma_wait3A_793 = arith.constant 1 : i32
    %dma_wait3A_794 = arith.constant 0 : i32
    %dma_wait3A_795 = arith.constant 0 : i32
    %dma_wait3A_796 = tpu.memref_slice %arg4[%dma_wait3A_793, %dma_wait3A_794, %dma_wait3A_795] : memref<2x16x2048xf32, #tpu.memory_space<vmem>> -> memref<1x16x2048xf32, #tpu.memory_space<vmem>>
    %dma_wait3A_797 = tpu.memref_squeeze %dma_wait3A_796 : memref<1x16x2048xf32, #tpu.memory_space<vmem>> -> memref<16x2048xf32, #tpu.memory_space<vmem>>
    %dma_wait3A_798 = arith.constant 0 : i32
    %dma_wait3A_799 = tpu.memref_slice %arg3[%add3A_62, %dma_wait3A_798] : memref<8192x2048xf32, #tpu.memory_space<hbm>> -> memref<16x2048xf32, #tpu.memory_space<hbm>>
    %dma_wait3A_800 = arith.constant 0 : i32
    %dma_wait3A_801 = tpu.memref_slice %arg3[%add3A_62, %dma_wait3A_800] : memref<8192x2048xf32, #tpu.memory_space<hbm>> -> memref<16x2048xf32, #tpu.memory_space<hbm>>
    %dma_wait3A_802 = arith.constant 0 : i32
    %dma_wait3A_803 = arith.constant 0 : i32
    %dma_wait3A_804 = tpu.memref_slice %arg4[%dma_wait3A_793, %dma_wait3A_802, %dma_wait3A_803] : memref<2x16x2048xf32, #tpu.memory_space<vmem>> -> memref<1x16x2048xf32, #tpu.memory_space<vmem>>
    %dma_wait3A_805 = tpu.memref_squeeze %dma_wait3A_804 : memref<1x16x2048xf32, #tpu.memory_space<vmem>> -> memref<16x2048xf32, #tpu.memory_space<vmem>>
    tpu.wait_dma2 semaphore(%arg8 : memref<!tpu.dma_semaphore, #tpu.memory_space<semaphore_mem>>) src(%dma_wait3A_805 : memref<16x2048xf32, #tpu.memory_space<vmem>>) dst(%dma_wait3A_801 : memref<16x2048xf32, #tpu.memory_space<hbm>>)
    %dma_start3A_806 = arith.constant 1 : i32
    %dma_start3A_807 = arith.constant 0 : i32
    %dma_start3A_808 = arith.constant 0 : i32
    %dma_start3A_809 = tpu.memref_slice %arg4[%dma_start3A_806, %dma_start3A_807, %dma_start3A_808] : memref<2x16x2048xf32, #tpu.memory_space<vmem>> -> memref<1x16x2048xf32, #tpu.memory_space<vmem>>
    %dma_start3A_810 = tpu.memref_squeeze %dma_start3A_809 : memref<1x16x2048xf32, #tpu.memory_space<vmem>> -> memref<16x2048xf32, #tpu.memory_space<vmem>>
    %dma_start3A_811 = arith.constant 0 : i32
    %dma_start3A_812 = tpu.memref_slice %arg2[%add3A_34, %dma_start3A_811] : memref<8192x2048xf32, #tpu.memory_space<hbm>> -> memref<16x2048xf32, #tpu.memory_space<hbm>>
    %dma_start3A_813 = arith.constant 0 : i32
    %dma_start3A_814 = arith.constant 0 : i32
    %dma_start3A_815 = tpu.memref_slice %arg4[%dma_start3A_806, %dma_start3A_813, %dma_start3A_814] : memref<2x16x2048xf32, #tpu.memory_space<vmem>> -> memref<1x16x2048xf32, #tpu.memory_space<vmem>>
    %dma_start3A_816 = tpu.memref_squeeze %dma_start3A_815 : memref<1x16x2048xf32, #tpu.memory_space<vmem>> -> memref<16x2048xf32, #tpu.memory_space<vmem>>
    %dma_start3A_817 = arith.constant 0 : i32
    %dma_start3A_818 = tpu.memref_slice %arg2[%add3A_34, %dma_start3A_817] : memref<8192x2048xf32, #tpu.memory_space<hbm>> -> memref<16x2048xf32, #tpu.memory_space<hbm>>
    tpu.enqueue_dma source(%dma_start3A_818 : memref<16x2048xf32, #tpu.memory_space<hbm>>) target(%dma_start3A_816 : memref<16x2048xf32, #tpu.memory_space<vmem>>) target_semaphore(%arg6 : memref<!tpu.dma_semaphore, #tpu.memory_space<semaphore_mem>>)
    %dma_wait3A_819 = arith.constant 0 : i32
    %dma_wait3A_820 = arith.constant 0 : i32
    %dma_wait3A_821 = arith.constant 0 : i32
    %dma_wait3A_822 = tpu.memref_slice %arg4[%dma_wait3A_819, %dma_wait3A_820, %dma_wait3A_821] : memref<2x16x2048xf32, #tpu.memory_space<vmem>> -> memref<1x16x2048xf32, #tpu.memory_space<vmem>>
    %dma_wait3A_823 = tpu.memref_squeeze %dma_wait3A_822 : memref<1x16x2048xf32, #tpu.memory_space<vmem>> -> memref<16x2048xf32, #tpu.memory_space<vmem>>
    %dma_wait3A_824 = arith.constant 0 : i32
    %dma_wait3A_825 = tpu.memref_slice %arg2[%add3A_32, %dma_wait3A_824] : memref<8192x2048xf32, #tpu.memory_space<hbm>> -> memref<16x2048xf32, #tpu.memory_space<hbm>>
    %dma_wait3A_826 = arith.constant 0 : i32
    %dma_wait3A_827 = arith.constant 0 : i32
    %dma_wait3A_828 = tpu.memref_slice %arg4[%dma_wait3A_819, %dma_wait3A_826, %dma_wait3A_827] : memref<2x16x2048xf32, #tpu.memory_space<vmem>> -> memref<1x16x2048xf32, #tpu.memory_space<vmem>>
    %dma_wait3A_829 = tpu.memref_squeeze %dma_wait3A_828 : memref<1x16x2048xf32, #tpu.memory_space<vmem>> -> memref<16x2048xf32, #tpu.memory_space<vmem>>
    %dma_wait3A_830 = arith.constant 0 : i32
    %dma_wait3A_831 = tpu.memref_slice %arg2[%add3A_32, %dma_wait3A_830] : memref<8192x2048xf32, #tpu.memory_space<hbm>> -> memref<16x2048xf32, #tpu.memory_space<hbm>>
    tpu.wait_dma2 semaphore(%arg5 : memref<!tpu.dma_semaphore, #tpu.memory_space<semaphore_mem>>) src(%dma_wait3A_831 : memref<16x2048xf32, #tpu.memory_space<hbm>>) dst(%dma_wait3A_829 : memref<16x2048xf32, #tpu.memory_space<vmem>>)
    %dma_start3A_832 = arith.constant 0 : i32
    %dma_start3A_833 = arith.constant 0 : i32
    %dma_start3A_834 = arith.constant 0 : i32
    %dma_start3A_835 = tpu.memref_slice %arg4[%dma_start3A_832, %dma_start3A_833, %dma_start3A_834] : memref<2x16x2048xf32, #tpu.memory_space<vmem>> -> memref<1x16x2048xf32, #tpu.memory_space<vmem>>
    %dma_start3A_836 = tpu.memref_squeeze %dma_start3A_835 : memref<1x16x2048xf32, #tpu.memory_space<vmem>> -> memref<16x2048xf32, #tpu.memory_space<vmem>>
    %dma_start3A_837 = arith.constant 0 : i32
    %dma_start3A_838 = tpu.memref_slice %arg3[%add3A_64, %dma_start3A_837] : memref<8192x2048xf32, #tpu.memory_space<hbm>> -> memref<16x2048xf32, #tpu.memory_space<hbm>>
    %dma_start3A_839 = arith.constant 0 : i32
    %dma_start3A_840 = tpu.memref_slice %arg3[%add3A_64, %dma_start3A_839] : memref<8192x2048xf32, #tpu.memory_space<hbm>> -> memref<16x2048xf32, #tpu.memory_space<hbm>>
    %dma_start3A_841 = arith.constant 0 : i32
    %dma_start3A_842 = arith.constant 0 : i32
    %dma_start3A_843 = tpu.memref_slice %arg4[%dma_start3A_832, %dma_start3A_841, %dma_start3A_842] : memref<2x16x2048xf32, #tpu.memory_space<vmem>> -> memref<1x16x2048xf32, #tpu.memory_space<vmem>>
    %dma_start3A_844 = tpu.memref_squeeze %dma_start3A_843 : memref<1x16x2048xf32, #tpu.memory_space<vmem>> -> memref<16x2048xf32, #tpu.memory_space<vmem>>
    tpu.enqueue_dma source(%dma_start3A_844 : memref<16x2048xf32, #tpu.memory_space<vmem>>) target(%dma_start3A_840 : memref<16x2048xf32, #tpu.memory_space<hbm>>) target_semaphore(%arg7 : memref<!tpu.dma_semaphore, #tpu.memory_space<semaphore_mem>>)
    %dma_wait3A_845 = arith.constant 1 : i32
    %dma_wait3A_846 = arith.constant 0 : i32
    %dma_wait3A_847 = arith.constant 0 : i32
    %dma_wait3A_848 = tpu.memref_slice %arg4[%dma_wait3A_845, %dma_wait3A_846, %dma_wait3A_847] : memref<2x16x2048xf32, #tpu.memory_space<vmem>> -> memref<1x16x2048xf32, #tpu.memory_space<vmem>>
    %dma_wait3A_849 = tpu.memref_squeeze %dma_wait3A_848 : memref<1x16x2048xf32, #tpu.memory_space<vmem>> -> memref<16x2048xf32, #tpu.memory_space<vmem>>
    %dma_wait3A_850 = arith.constant 0 : i32
    %dma_wait3A_851 = tpu.memref_slice %arg2[%add3A_34, %dma_wait3A_850] : memref<8192x2048xf32, #tpu.memory_space<hbm>> -> memref<16x2048xf32, #tpu.memory_space<hbm>>
    %dma_wait3A_852 = arith.constant 0 : i32
    %dma_wait3A_853 = arith.constant 0 : i32
    %dma_wait3A_854 = tpu.memref_slice %arg4[%dma_wait3A_845, %dma_wait3A_852, %dma_wait3A_853] : memref<2x16x2048xf32, #tpu.memory_space<vmem>> -> memref<1x16x2048xf32, #tpu.memory_space<vmem>>
    %dma_wait3A_855 = tpu.memref_squeeze %dma_wait3A_854 : memref<1x16x2048xf32, #tpu.memory_space<vmem>> -> memref<16x2048xf32, #tpu.memory_space<vmem>>
    %dma_wait3A_856 = arith.constant 0 : i32
    %dma_wait3A_857 = tpu.memref_slice %arg2[%add3A_34, %dma_wait3A_856] : memref<8192x2048xf32, #tpu.memory_space<hbm>> -> memref<16x2048xf32, #tpu.memory_space<hbm>>
    tpu.wait_dma2 semaphore(%arg6 : memref<!tpu.dma_semaphore, #tpu.memory_space<semaphore_mem>>) src(%dma_wait3A_857 : memref<16x2048xf32, #tpu.memory_space<hbm>>) dst(%dma_wait3A_855 : memref<16x2048xf32, #tpu.memory_space<vmem>>)
    %dma_start3A_858 = arith.constant 1 : i32
    %dma_start3A_859 = arith.constant 0 : i32
    %dma_start3A_860 = arith.constant 0 : i32
    %dma_start3A_861 = tpu.memref_slice %arg4[%dma_start3A_858, %dma_start3A_859, %dma_start3A_860] : memref<2x16x2048xf32, #tpu.memory_space<vmem>> -> memref<1x16x2048xf32, #tpu.memory_space<vmem>>
    %dma_start3A_862 = tpu.memref_squeeze %dma_start3A_861 : memref<1x16x2048xf32, #tpu.memory_space<vmem>> -> memref<16x2048xf32, #tpu.memory_space<vmem>>
    %dma_start3A_863 = arith.constant 0 : i32
    %dma_start3A_864 = tpu.memref_slice %arg3[%add3A_66, %dma_start3A_863] : memref<8192x2048xf32, #tpu.memory_space<hbm>> -> memref<16x2048xf32, #tpu.memory_space<hbm>>
    %dma_start3A_865 = arith.constant 0 : i32
    %dma_start3A_866 = tpu.memref_slice %arg3[%add3A_66, %dma_start3A_865] : memref<8192x2048xf32, #tpu.memory_space<hbm>> -> memref<16x2048xf32, #tpu.memory_space<hbm>>
    %dma_start3A_867 = arith.constant 0 : i32
    %dma_start3A_868 = arith.constant 0 : i32
    %dma_start3A_869 = tpu.memref_slice %arg4[%dma_start3A_858, %dma_start3A_867, %dma_start3A_868] : memref<2x16x2048xf32, #tpu.memory_space<vmem>> -> memref<1x16x2048xf32, #tpu.memory_space<vmem>>
    %dma_start3A_870 = tpu.memref_squeeze %dma_start3A_869 : memref<1x16x2048xf32, #tpu.memory_space<vmem>> -> memref<16x2048xf32, #tpu.memory_space<vmem>>
    tpu.enqueue_dma source(%dma_start3A_870 : memref<16x2048xf32, #tpu.memory_space<vmem>>) target(%dma_start3A_866 : memref<16x2048xf32, #tpu.memory_space<hbm>>) target_semaphore(%arg8 : memref<!tpu.dma_semaphore, #tpu.memory_space<semaphore_mem>>)
    %dma_wait3A_871 = arith.constant 0 : i32
    %dma_wait3A_872 = arith.constant 0 : i32
    %dma_wait3A_873 = arith.constant 0 : i32
    %dma_wait3A_874 = tpu.memref_slice %arg4[%dma_wait3A_871, %dma_wait3A_872, %dma_wait3A_873] : memref<2x16x2048xf32, #tpu.memory_space<vmem>> -> memref<1x16x2048xf32, #tpu.memory_space<vmem>>
    %dma_wait3A_875 = tpu.memref_squeeze %dma_wait3A_874 : memref<1x16x2048xf32, #tpu.memory_space<vmem>> -> memref<16x2048xf32, #tpu.memory_space<vmem>>
    %dma_wait3A_876 = arith.constant 0 : i32
    %dma_wait3A_877 = tpu.memref_slice %arg3[%add3A_64, %dma_wait3A_876] : memref<8192x2048xf32, #tpu.memory_space<hbm>> -> memref<16x2048xf32, #tpu.memory_space<hbm>>
    %dma_wait3A_878 = arith.constant 0 : i32
    %dma_wait3A_879 = tpu.memref_slice %arg3[%add3A_64, %dma_wait3A_878] : memref<8192x2048xf32, #tpu.memory_space<hbm>> -> memref<16x2048xf32, #tpu.memory_space<hbm>>
    %dma_wait3A_880 = arith.constant 0 : i32
    %dma_wait3A_881 = arith.constant 0 : i32
    %dma_wait3A_882 = tpu.memref_slice %arg4[%dma_wait3A_871, %dma_wait3A_880, %dma_wait3A_881] : memref<2x16x2048xf32, #tpu.memory_space<vmem>> -> memref<1x16x2048xf32, #tpu.memory_space<vmem>>
    %dma_wait3A_883 = tpu.memref_squeeze %dma_wait3A_882 : memref<1x16x2048xf32, #tpu.memory_space<vmem>> -> memref<16x2048xf32, #tpu.memory_space<vmem>>
    tpu.wait_dma2 semaphore(%arg7 : memref<!tpu.dma_semaphore, #tpu.memory_space<semaphore_mem>>) src(%dma_wait3A_883 : memref<16x2048xf32, #tpu.memory_space<vmem>>) dst(%dma_wait3A_879 : memref<16x2048xf32, #tpu.memory_space<hbm>>)
    %dma_wait3A_884 = arith.constant 1 : i32
    %dma_wait3A_885 = arith.constant 0 : i32
    %dma_wait3A_886 = arith.constant 0 : i32
    %dma_wait3A_887 = tpu.memref_slice %arg4[%dma_wait3A_884, %dma_wait3A_885, %dma_wait3A_886] : memref<2x16x2048xf32, #tpu.memory_space<vmem>> -> memref<1x16x2048xf32, #tpu.memory_space<vmem>>
    %dma_wait3A_888 = tpu.memref_squeeze %dma_wait3A_887 : memref<1x16x2048xf32, #tpu.memory_space<vmem>> -> memref<16x2048xf32, #tpu.memory_space<vmem>>
    %dma_wait3A_889 = arith.constant 0 : i32
    %dma_wait3A_890 = tpu.memref_slice %arg3[%add3A_66, %dma_wait3A_889] : memref<8192x2048xf32, #tpu.memory_space<hbm>> -> memref<16x2048xf32, #tpu.memory_space<hbm>>
    %dma_wait3A_891 = arith.constant 0 : i32
    %dma_wait3A_892 = tpu.memref_slice %arg3[%add3A_66, %dma_wait3A_891] : memref<8192x2048xf32, #tpu.memory_space<hbm>> -> memref<16x2048xf32, #tpu.memory_space<hbm>>
    %dma_wait3A_893 = arith.constant 0 : i32
    %dma_wait3A_894 = arith.constant 0 : i32
    %dma_wait3A_895 = tpu.memref_slice %arg4[%dma_wait3A_884, %dma_wait3A_893, %dma_wait3A_894] : memref<2x16x2048xf32, #tpu.memory_space<vmem>> -> memref<1x16x2048xf32, #tpu.memory_space<vmem>>
    %dma_wait3A_896 = tpu.memref_squeeze %dma_wait3A_895 : memref<1x16x2048xf32, #tpu.memory_space<vmem>> -> memref<16x2048xf32, #tpu.memory_space<vmem>>
    tpu.wait_dma2 semaphore(%arg8 : memref<!tpu.dma_semaphore, #tpu.memory_space<semaphore_mem>>) src(%dma_wait3A_896 : memref<16x2048xf32, #tpu.memory_space<vmem>>) dst(%dma_wait3A_892 : memref<16x2048xf32, #tpu.memory_space<hbm>>)
    return
  }
}

module attributes {stable_mosaic.version = 14 : i64} {
  func.func @_mlp_kernel(%arg0: i32, %arg1: memref<16x1024xbf16, #tpu.memory_space<vmem>>, %arg2: memref<16x256xbf16, #tpu.memory_space<vmem>>, %arg3: memref<16x2048xf32, #tpu.memory_space<vmem>>, %arg4: memref<1024x2048xf32, #tpu.memory_space<vmem>>, %arg5: memref<256x2048xf32, #tpu.memory_space<vmem>>, %arg6: memref<16x16x2048xf32, #tpu.memory_space<vmem>>) attributes {dimension_semantics = [#tpu.dimension_semantics<arbitrary>], iteration_bounds = array<i64: 16>, scalar_prefetch = 0 : i64, scratch_operands = 0 : i64, tpu.core_type = #tpu.core_type<tc>, window_params = [{pipeline_mode = #tpu.pipeline_mode<synchronous>, transform_indices = @transform_0, window_bounds = array<i64: 16, 1024>}, {pipeline_mode = #tpu.pipeline_mode<synchronous>, transform_indices = @transform_1, window_bounds = array<i64: 16, 256>}, {pipeline_mode = #tpu.pipeline_mode<synchronous>, transform_indices = @transform_2, window_bounds = array<i64: 16, 2048>}, {transform_indices = @transform_3, window_bounds = array<i64: 1024, 2048>}, {transform_indices = @transform_4, window_bounds = array<i64: 256, 2048>}, {pipeline_mode = #tpu.pipeline_mode<synchronous>, transform_indices = @transform_5, window_bounds = array<i64: 16, 16, 2048>}]} {
    %get3A = arith.constant 0 : index
    %get3A_0 = arith.constant 0 : index
    %get3A_1 = vector.load %arg1[%get3A, %get3A_0] : memref<16x1024xbf16, #tpu.memory_space<vmem>>, vector<16x1024xbf16>
    %get3A_2 = arith.constant 0 : index
    %get3A_3 = arith.constant 0 : index
    %get3A_4 = vector.load %arg4[%get3A_2, %get3A_3] : memref<1024x2048xf32, #tpu.memory_space<vmem>>, vector<1024x2048xf32>
    %convert_element_type3A = arith.truncf %get3A_4 : vector<1024x2048xf32> to vector<1024x2048xbf16>
    %dot_general3A = arith.constant dense<0.000000e+00> : vector<16x2048xf32>
    %dot_general3A_5 = tpu.matmul %get3A_1, %convert_element_type3A, %dot_general3A {dimension_numbers = #tpu.dot_dimension_numbers<[1], [0], [0], [1], [0, 0, 1, 1], [], []>, transpose_lhs_hint = false} : vector<16x1024xbf16>, vector<1024x2048xbf16>, vector<16x2048xf32> -> vector<16x2048xf32>
    %get3A_6 = arith.constant 0 : index
    %get3A_7 = arith.constant 0 : index
    %get3A_8 = vector.load %arg2[%get3A_6, %get3A_7] : memref<16x256xbf16, #tpu.memory_space<vmem>>, vector<16x256xbf16>
    %get3A_9 = arith.constant 0 : index
    %get3A_10 = arith.constant 0 : index
    %get3A_11 = vector.load %arg5[%get3A_9, %get3A_10] : memref<256x2048xf32, #tpu.memory_space<vmem>>, vector<256x2048xf32>
    %convert_element_type3A_12 = arith.truncf %get3A_11 : vector<256x2048xf32> to vector<256x2048xbf16>
    %dot_general3A_13 = arith.constant dense<0.000000e+00> : vector<16x2048xf32>
    %dot_general3A_14 = tpu.matmul %get3A_8, %convert_element_type3A_12, %dot_general3A_13 {dimension_numbers = #tpu.dot_dimension_numbers<[1], [0], [0], [1], [0, 0, 1, 1], [], []>, transpose_lhs_hint = false} : vector<16x256xbf16>, vector<256x2048xbf16>, vector<16x2048xf32> -> vector<16x2048xf32>
    %add3A = arith.addf %dot_general3A_5, %dot_general3A_14 : vector<16x2048xf32>
    %get3A_15 = arith.index_cast %arg0 : i32 to index
    %get3A_16 = arith.constant 0 : index
    %get3A_17 = vector.load %arg3[%get3A_15, %get3A_16] : memref<16x2048xf32, #tpu.memory_space<vmem>>, vector<1x2048xf32>
    %add3A_18 = vector.broadcast %get3A_17 : vector<1x2048xf32> to vector<16x2048xf32>
    %add3A_19 = arith.addf %add3A, %add3A_18 : vector<16x2048xf32>
    %mul3A = arith.constant 1.000000e+00 : f32
    %mul3A_20 = vector.broadcast %mul3A : f32 to vector<16x2048xf32>
    %mul3A_21 = arith.mulf %add3A_19, %mul3A_20 : vector<16x2048xf32>
    %broadcast_in_dim3A = vector.shape_cast %mul3A_21 : vector<16x2048xf32> to vector<16x1x2048xf32>
    %swap3A = arith.constant 0 : index
    %swap3A_22 = arith.index_cast %arg0 : i32 to index
    %swap3A_23 = arith.constant 0 : index
    %swap3A_24 = vector.load %arg6[%swap3A, %swap3A_22, %swap3A_23] : memref<16x16x2048xf32, #tpu.memory_space<vmem>>, vector<16x1x2048xf32>
    tpu.vector_store %arg6[%swap3A, %swap3A_22, %swap3A_23], %broadcast_in_dim3A {strides = array<i32>} : memref<16x16x2048xf32, #tpu.memory_space<vmem>>, vector<16x1x2048xf32>,
    return
  }
  func.func @transform_0(%arg0: i32) -> (i32, i32) {
    %c0_i32 = arith.constant 0 : i32
    %c0_i32_0 = arith.constant 0 : i32
    %c0_i32_1 = arith.constant 0 : i32
    return %c0_i32, %c0_i32_0 : i32, i32
  }
  func.func @transform_1(%arg0: i32) -> (i32, i32) {
    %c0_i32 = arith.constant 0 : i32
    %c0_i32_0 = arith.constant 0 : i32
    %c0_i32_1 = arith.constant 0 : i32
    return %c0_i32, %c0_i32_0 : i32, i32
  }
  func.func @transform_2(%arg0: i32) -> (i32, i32) {
    %c0_i32 = arith.constant 0 : i32
    %c0_i32_0 = arith.constant 0 : i32
    %c0_i32_1 = arith.constant 0 : i32
    return %c0_i32, %c0_i32_0 : i32, i32
  }
  func.func @transform_3(%arg0: i32) -> (i32, i32) {
    %c0_i32 = arith.constant 0 : i32
    %c0_i32_0 = arith.constant 0 : i32
    return %c0_i32, %arg0 : i32, i32
  }
  func.func @transform_4(%arg0: i32) -> (i32, i32) {
    %c0_i32 = arith.constant 0 : i32
    %c0_i32_0 = arith.constant 0 : i32
    return %c0_i32, %arg0 : i32, i32
  }
  func.func @transform_5(%arg0: i32) -> (i32, i32, i32) {
    %c0_i32 = arith.constant 0 : i32
    %c0_i32_0 = arith.constant 0 : i32
    %c0_i32_1 = arith.constant 0 : i32
    %c0_i32_2 = arith.constant 0 : i32
    return %c0_i32, %c0_i32_0, %c0_i32_1 : i32, i32, i32
  }
}

module attributes {stable_mosaic.version = 14 : i64} {
  func.func @_pool_kernel(%arg0: i32, %arg1: memref<16xi32, #tpu.memory_space<smem>>, %arg2: memref<2x512x2048xf32, #tpu.memory_space<vmem>>, %arg3: memref<16xf32, #tpu.memory_space<vmem>>, %arg4: memref<2048x1024xf32, #tpu.memory_space<vmem>>, %arg5: memref<1024xf32, #tpu.memory_space<vmem>>, %arg6: memref<128x256xf32, #tpu.memory_space<vmem>>, %arg7: memref<256xf32, #tpu.memory_space<vmem>>, %arg8: memref<16x2048xf32, #tpu.memory_space<vmem>>, %arg9: memref<32768xf32, #tpu.memory_space<vmem>>, %arg10: memref<32768xf32, #tpu.memory_space<vmem>>, %arg11: memref<16x1024xbf16, #tpu.memory_space<vmem>>, %arg12: memref<16x256xbf16, #tpu.memory_space<vmem>>, %arg13: memref<16x2048xf32, #tpu.memory_space<vmem>>, %arg14: memref<16x2048xf32, #tpu.memory_space<vmem>>) attributes {dimension_semantics = [#tpu.dimension_semantics<arbitrary>], iteration_bounds = array<i64: 8>, scalar_prefetch = 0 : i64, scratch_operands = 1 : i64, tpu.core_type = #tpu.core_type<tc>, window_params = [{transform_indices = @transform_0, window_bounds = array<i64: 16>}, {transform_indices = @transform_1, window_bounds = array<i64: 2, 512, 2048>}, {pipeline_mode = #tpu.pipeline_mode<synchronous>, transform_indices = @transform_2, window_bounds = array<i64: 16>}, {pipeline_mode = #tpu.pipeline_mode<synchronous>, transform_indices = @transform_3, window_bounds = array<i64: 2048, 1024>}, {pipeline_mode = #tpu.pipeline_mode<synchronous>, transform_indices = @transform_4, window_bounds = array<i64: 1024>}, {pipeline_mode = #tpu.pipeline_mode<synchronous>, transform_indices = @transform_5, window_bounds = array<i64: 128, 256>}, {pipeline_mode = #tpu.pipeline_mode<synchronous>, transform_indices = @transform_6, window_bounds = array<i64: 256>}, {pipeline_mode = #tpu.pipeline_mode<synchronous>, transform_indices = @transform_7, window_bounds = array<i64: 16, 2048>}, {pipeline_mode = #tpu.pipeline_mode<synchronous>, transform_indices = @transform_8, window_bounds = array<i64: 32768>}, {pipeline_mode = #tpu.pipeline_mode<synchronous>, transform_indices = @transform_9, window_bounds = array<i64: 32768>}, {pipeline_mode = #tpu.pipeline_mode<synchronous>, transform_indices = @transform_10, window_bounds = array<i64: 16, 1024>}, {pipeline_mode = #tpu.pipeline_mode<synchronous>, transform_indices = @transform_11, window_bounds = array<i64: 16, 256>}, {pipeline_mode = #tpu.pipeline_mode<synchronous>, transform_indices = @transform_12, window_bounds = array<i64: 16, 2048>}]} {
    %iota3A = tpu.iota {dimensions = array<i32: 0>} : vector<512x1xi32>
    %mul3A = arith.constant 2 : i32
    %mul3A_0 = arith.muli %arg0, %mul3A : i32
    %add3A = arith.constant 0 : i32
    %add3A_1 = arith.addi %mul3A_0, %add3A : i32
    %get3A = arith.index_cast %add3A_1 : i32 to index
    %get3A_2 = memref.load %arg1[%get3A] : memref<16xi32, #tpu.memory_space<smem>>
    %lt3A = vector.broadcast %get3A_2 : i32 to vector<512x1xi32>
    %lt3A_3 = arith.cmpi slt, %iota3A, %lt3A : vector<512x1xi32>
    %convert_element_type3A = arith.extui %lt3A_3 : vector<512x1xi1> to vector<512x1xi32>
    %convert_element_type3A_4 = arith.sitofp %convert_element_type3A : vector<512x1xi32> to vector<512x1xf32>
    %get3A_5 = arith.constant 0 : index
    %get3A_6 = arith.constant 0 : index
    %get3A_7 = arith.constant 0 : index
    %get3A_8 = vector.load %arg2[%get3A_5, %get3A_6, %get3A_7] : memref<2x512x2048xf32, #tpu.memory_space<vmem>>, vector<1x512x2048xf32>
    %get3A_9 = vector.shape_cast %get3A_8 : vector<1x512x2048xf32> to vector<512x2048xf32>
    %mul3A_10 = vector.broadcast %convert_element_type3A_4 : vector<512x1xf32> to vector<512x2048xf32>
    %mul3A_11 = arith.mulf %get3A_9, %mul3A_10 : vector<512x2048xf32>
    %reduce_sum3A = arith.constant dense<0.000000e+00> : vector<2048xf32>
    %reduce_sum3A_12 = vector.multi_reduction <add>, %mul3A_11, %reduce_sum3A [0] : vector<512x2048xf32> to vector<2048xf32>
    %broadcast_in_dim3A = vector.shape_cast %reduce_sum3A_12 : vector<2048xf32> to vector<1x2048xf32>
    %max3A = arith.constant 1 : i32
    %max3A_13 = arith.maxsi %get3A_2, %max3A : i32
    %convert_element_type3A_14 = arith.sitofp %max3A_13 : i32 to f32
    %div3A = arith.constant 1.000000e+00 : f32
    %div3A_15 = arith.divf %div3A, %convert_element_type3A_14 : f32
    %mul3A_16 = vector.broadcast %div3A_15 : f32 to vector<1x2048xf32>
    %mul3A_17 = arith.mulf %broadcast_in_dim3A, %mul3A_16 : vector<1x2048xf32>
    %mul3A_18 = arith.constant 2 : i32
    %mul3A_19 = arith.muli %arg0, %mul3A_18 : i32
    %add3A_20 = arith.constant 0 : i32
    %add3A_21 = arith.addi %mul3A_19, %add3A_20 : i32
    %swap3A = arith.index_cast %add3A_21 : i32 to index
    %swap3A_22 = arith.constant 0 : index
    %swap3A_23 = vector.load %arg14[%swap3A, %swap3A_22] : memref<16x2048xf32, #tpu.memory_space<vmem>>, vector<1x2048xf32>
    tpu.vector_store %arg14[%swap3A, %swap3A_22], %mul3A_17 {strides = array<i32>} : memref<16x2048xf32, #tpu.memory_space<vmem>>, vector<1x2048xf32>,
    %mul3A_24 = arith.constant 2 : i32
    %mul3A_25 = arith.muli %arg0, %mul3A_24 : i32
    %add3A_26 = arith.constant 1 : i32
    %add3A_27 = arith.addi %mul3A_25, %add3A_26 : i32
    %get3A_28 = arith.index_cast %add3A_27 : i32 to index
    %get3A_29 = memref.load %arg1[%get3A_28] : memref<16xi32, #tpu.memory_space<smem>>
    %lt3A_30 = vector.broadcast %get3A_29 : i32 to vector<512x1xi32>
    %lt3A_31 = arith.cmpi slt, %iota3A, %lt3A_30 : vector<512x1xi32>
    %convert_element_type3A_32 = arith.extui %lt3A_31 : vector<512x1xi1> to vector<512x1xi32>
    %convert_element_type3A_33 = arith.sitofp %convert_element_type3A_32 : vector<512x1xi32> to vector<512x1xf32>
    %get3A_34 = arith.constant 1 : index
    %get3A_35 = arith.constant 0 : index
    %get3A_36 = arith.constant 0 : index
    %get3A_37 = vector.load %arg2[%get3A_34, %get3A_35, %get3A_36] : memref<2x512x2048xf32, #tpu.memory_space<vmem>>, vector<1x512x2048xf32>
    %get3A_38 = vector.shape_cast %get3A_37 : vector<1x512x2048xf32> to vector<512x2048xf32>
    %mul3A_39 = vector.broadcast %convert_element_type3A_33 : vector<512x1xf32> to vector<512x2048xf32>
    %mul3A_40 = arith.mulf %get3A_38, %mul3A_39 : vector<512x2048xf32>
    %reduce_sum3A_41 = arith.constant dense<0.000000e+00> : vector<2048xf32>
    %reduce_sum3A_42 = vector.multi_reduction <add>, %mul3A_40, %reduce_sum3A_41 [0] : vector<512x2048xf32> to vector<2048xf32>
    %broadcast_in_dim3A_43 = vector.shape_cast %reduce_sum3A_42 : vector<2048xf32> to vector<1x2048xf32>
    %max3A_44 = arith.constant 1 : i32
    %max3A_45 = arith.maxsi %get3A_29, %max3A_44 : i32
    %convert_element_type3A_46 = arith.sitofp %max3A_45 : i32 to f32
    %div3A_47 = arith.constant 1.000000e+00 : f32
    %div3A_48 = arith.divf %div3A_47, %convert_element_type3A_46 : f32
    %mul3A_49 = vector.broadcast %div3A_48 : f32 to vector<1x2048xf32>
    %mul3A_50 = arith.mulf %broadcast_in_dim3A_43, %mul3A_49 : vector<1x2048xf32>
    %mul3A_51 = arith.constant 2 : i32
    %mul3A_52 = arith.muli %arg0, %mul3A_51 : i32
    %add3A_53 = arith.constant 1 : i32
    %add3A_54 = arith.addi %mul3A_52, %add3A_53 : i32
    %swap3A_55 = arith.index_cast %add3A_54 : i32 to index
    %swap3A_56 = arith.constant 0 : index
    %swap3A_57 = vector.load %arg14[%swap3A_55, %swap3A_56] : memref<16x2048xf32, #tpu.memory_space<vmem>>, vector<1x2048xf32>
    tpu.vector_store %arg14[%swap3A_55, %swap3A_56], %mul3A_50 {strides = array<i32>} : memref<16x2048xf32, #tpu.memory_space<vmem>>, vector<1x2048xf32>,
    %eq3A = arith.constant 0 : i32
    %eq3A_58 = arith.cmpi eq, %arg0, %eq3A : i32
    %convert_element_type3A_59 = arith.extui %eq3A_58 : i1 to i32
    %cond3A = arith.constant 0 : i32
    %cond3A_60 = arith.cmpi ne, %convert_element_type3A_59, %cond3A : i32
    scf.if %cond3A_60 {
      %get3A_66 = arith.constant 0 : index
      %get3A_67 = vector.load %arg3[%get3A_66] : memref<16xf32, #tpu.memory_space<vmem>>, vector<16xf32>
      %reshape3A = vector.shape_cast %get3A_67 : vector<16xf32> to vector<16x1xf32>
      %iota3A_68 = tpu.iota {dimensions = array<i32: 1>} : vector<1x64xi32>
      %convert_element_type3A_69 = arith.sitofp %iota3A_68 : vector<1x64xi32> to vector<1x64xf32>
      %mul3A_70 = arith.constant -0.14391157 : f32
      %mul3A_71 = vector.broadcast %mul3A_70 : f32 to vector<1x64xf32>
      %mul3A_72 = arith.mulf %mul3A_71, %convert_element_type3A_69 : vector<1x64xf32>
      %exp3A = math.exp %mul3A_72 : vector<1x64xf32>
      %mul3A_73 = vector.broadcast %reshape3A : vector<16x1xf32> to vector<16x64xf32>
      %mul3A_74 = vector.broadcast %exp3A : vector<1x64xf32> to vector<16x64xf32>
      %mul3A_75 = arith.mulf %mul3A_73, %mul3A_74 : vector<16x64xf32>
      %cos3A = math.cos %mul3A_75 : vector<16x64xf32>
      %sin3A = math.sin %mul3A_75 : vector<16x64xf32>
      %concatenate3A = tpu.concatenate %cos3A, %sin3A in 1 : vector<16x64xf32>, vector<16x64xf32> -> vector<16x128xf32>
      %get3A_76 = arith.constant 0 : index
      %get3A_77 = arith.constant 0 : index
      %get3A_78 = vector.load %arg6[%get3A_76, %get3A_77] : memref<128x256xf32, #tpu.memory_space<vmem>>, vector<128x256xf32>
      %dot_general3A = arith.constant dense<0.000000e+00> : vector<16x256xf32>
      %dot_general3A_79 = tpu.matmul %concatenate3A, %get3A_78, %dot_general3A {dimension_numbers = #tpu.dot_dimension_numbers<[1], [0], [0], [1], [0, 0, 1, 1], [], []>, transpose_lhs_hint = false} : vector<16x128xf32>, vector<128x256xf32>, vector<16x256xf32> -> vector<16x256xf32>
      %get3A_80 = arith.constant 0 : index
      %get3A_81 = vector.load %arg7[%get3A_80] : memref<256xf32, #tpu.memory_space<vmem>>, vector<256xf32>
      %broadcast_in_dim3A_82 = vector.shape_cast %get3A_81 : vector<256xf32> to vector<1x256xf32>
      %add3A_83 = vector.broadcast %broadcast_in_dim3A_82 : vector<1x256xf32> to vector<16x256xf32>
      %add3A_84 = arith.addf %dot_general3A_79, %add3A_83 : vector<16x256xf32>
      %neg3A = arith.constant 0.000000e+00 : f32
      %neg3A_85 = vector.broadcast %neg3A : f32 to vector<16x256xf32>
      %neg3A_86 = arith.subf %neg3A_85, %add3A_84 : vector<16x256xf32>
      %exp3A_87 = math.exp %neg3A_86 : vector<16x256xf32>
      %add3A_88 = arith.constant 1.000000e+00 : f32
      %add3A_89 = vector.broadcast %add3A_88 : f32 to vector<16x256xf32>
      %add3A_90 = arith.addf %add3A_89, %exp3A_87 : vector<16x256xf32>
      %div3A_91 = arith.divf %add3A_84, %add3A_90 : vector<16x256xf32>
      %convert_element_type3A_92 = arith.truncf %div3A_91 : vector<16x256xf32> to vector<16x256xbf16>
      %swap3A_93 = arith.constant 0 : index
      %swap3A_94 = arith.constant 0 : index
      %swap3A_95 = vector.load %arg12[%swap3A_93, %swap3A_94] : memref<16x256xbf16, #tpu.memory_space<vmem>>, vector<16x256xbf16>
      tpu.vector_store %arg12[%swap3A_93, %swap3A_94], %convert_element_type3A_92 {strides = array<i32>} : memref<16x256xbf16, #tpu.memory_space<vmem>>, vector<16x256xbf16>,
      %get3A_96 = arith.constant 0 : index
      %get3A_97 = arith.constant 0 : index
      %get3A_98 = vector.load %arg8[%get3A_96, %get3A_97] : memref<16x2048xf32, #tpu.memory_space<vmem>>, vector<16x2048xf32>
      %get3A_99 = arith.constant 0 : index
      %get3A_100 = vector.load %arg9[%get3A_99] : memref<32768xf32, #tpu.memory_space<vmem>>, vector<32768xf32>
      %reshape3A_101 = vector.shape_cast %get3A_100 : vector<32768xf32> to vector<16x2048xf32>
      %add3A_102 = arith.addf %get3A_98, %reshape3A_101 : vector<16x2048xf32>
      %get3A_103 = arith.constant 0 : index
      %get3A_104 = vector.load %arg10[%get3A_103] : memref<32768xf32, #tpu.memory_space<vmem>>, vector<32768xf32>
      %reshape3A_105 = vector.shape_cast %get3A_104 : vector<32768xf32> to vector<16x2048xf32>
      %add3A_106 = arith.addf %add3A_102, %reshape3A_105 : vector<16x2048xf32>
      %swap3A_107 = arith.constant 0 : index
      %swap3A_108 = arith.constant 0 : index
      %swap3A_109 = vector.load %arg13[%swap3A_107, %swap3A_108] : memref<16x2048xf32, #tpu.memory_space<vmem>>, vector<16x2048xf32>
      tpu.vector_store %arg13[%swap3A_107, %swap3A_108], %add3A_106 {strides = array<i32>} : memref<16x2048xf32, #tpu.memory_space<vmem>>, vector<16x2048xf32>,
    } else {
    }
    %eq3A_61 = arith.constant 7 : i32
    %eq3A_62 = arith.cmpi eq, %arg0, %eq3A_61 : i32
    %convert_element_type3A_63 = arith.extui %eq3A_62 : i1 to i32
    %cond3A_64 = arith.constant 0 : i32
    %cond3A_65 = arith.cmpi ne, %convert_element_type3A_63, %cond3A_64 : i32
    scf.if %cond3A_65 {
      %get3A_66 = arith.constant 0 : index
      %get3A_67 = arith.constant 0 : index
      %get3A_68 = vector.load %arg14[%get3A_66, %get3A_67] : memref<16x2048xf32, #tpu.memory_space<vmem>>, vector<16x2048xf32>
      %get3A_69 = arith.constant 0 : index
      %get3A_70 = arith.constant 0 : index
      %get3A_71 = vector.load %arg4[%get3A_69, %get3A_70] : memref<2048x1024xf32, #tpu.memory_space<vmem>>, vector<2048x1024xf32>
      %dot_general3A = arith.constant dense<0.000000e+00> : vector<16x1024xf32>
      %dot_general3A_72 = tpu.matmul %get3A_68, %get3A_71, %dot_general3A {dimension_numbers = #tpu.dot_dimension_numbers<[1], [0], [0], [1], [0, 0, 1, 1], [], []>, transpose_lhs_hint = false} : vector<16x2048xf32>, vector<2048x1024xf32>, vector<16x1024xf32> -> vector<16x1024xf32>
      %get3A_73 = arith.constant 0 : index
      %get3A_74 = vector.load %arg5[%get3A_73] : memref<1024xf32, #tpu.memory_space<vmem>>, vector<1024xf32>
      %broadcast_in_dim3A_75 = vector.shape_cast %get3A_74 : vector<1024xf32> to vector<1x1024xf32>
      %add3A_76 = vector.broadcast %broadcast_in_dim3A_75 : vector<1x1024xf32> to vector<16x1024xf32>
      %add3A_77 = arith.addf %dot_general3A_72, %add3A_76 : vector<16x1024xf32>
      %mul3A_78 = arith.constant 5.000000e-01 : f32
      %mul3A_79 = vector.broadcast %mul3A_78 : f32 to vector<16x1024xf32>
      %mul3A_80 = arith.mulf %mul3A_79, %add3A_77 : vector<16x1024xf32>
      %mul3A_81 = arith.constant 0.707106769 : f32
      %mul3A_82 = vector.broadcast %mul3A_81 : f32 to vector<16x1024xf32>
      %mul3A_83 = arith.mulf %add3A_77, %mul3A_82 : vector<16x1024xf32>
      %erf3A = math.erf %mul3A_83 : vector<16x1024xf32>
      %add3A_84 = arith.constant 1.000000e+00 : f32
      %add3A_85 = vector.broadcast %add3A_84 : f32 to vector<16x1024xf32>
      %add3A_86 = arith.addf %add3A_85, %erf3A : vector<16x1024xf32>
      %mul3A_87 = arith.mulf %mul3A_80, %add3A_86 : vector<16x1024xf32>
      %convert_element_type3A_88 = arith.truncf %mul3A_87 : vector<16x1024xf32> to vector<16x1024xbf16>
      %swap3A_89 = arith.constant 0 : index
      %swap3A_90 = arith.constant 0 : index
      %swap3A_91 = vector.load %arg11[%swap3A_89, %swap3A_90] : memref<16x1024xbf16, #tpu.memory_space<vmem>>, vector<16x1024xbf16>
      tpu.vector_store %arg11[%swap3A_89, %swap3A_90], %convert_element_type3A_88 {strides = array<i32>} : memref<16x1024xbf16, #tpu.memory_space<vmem>>, vector<16x1024xbf16>,
    } else {
    }
    return
  }
  func.func @transform_0(%arg0: i32) -> i32 {
    %c0_i32 = arith.constant 0 : i32
    %c0_i32_0 = arith.constant 0 : i32
    return %c0_i32 : i32
  }
  func.func @transform_1(%arg0: i32) -> (i32, i32, i32) {
    %c0_i32 = arith.constant 0 : i32
    %c0_i32_0 = arith.constant 0 : i32
    %c0_i32_1 = arith.constant 0 : i32
    return %arg0, %c0_i32, %c0_i32_0 : i32, i32, i32
  }
  func.func @transform_2(%arg0: i32) -> i32 {
    %c0_i32 = arith.constant 0 : i32
    %c0_i32_0 = arith.constant 0 : i32
    return %c0_i32 : i32
  }
  func.func @transform_3(%arg0: i32) -> (i32, i32) {
    %c0_i32 = arith.constant 0 : i32
    %c0_i32_0 = arith.constant 0 : i32
    %c0_i32_1 = arith.constant 0 : i32
    return %c0_i32, %c0_i32_0 : i32, i32
  }
  func.func @transform_4(%arg0: i32) -> i32 {
    %c0_i32 = arith.constant 0 : i32
    %c0_i32_0 = arith.constant 0 : i32
    return %c0_i32 : i32
  }
  func.func @transform_5(%arg0: i32) -> (i32, i32) {
    %c0_i32 = arith.constant 0 : i32
    %c0_i32_0 = arith.constant 0 : i32
    %c0_i32_1 = arith.constant 0 : i32
    return %c0_i32, %c0_i32_0 : i32, i32
  }
  func.func @transform_6(%arg0: i32) -> i32 {
    %c0_i32 = arith.constant 0 : i32
    %c0_i32_0 = arith.constant 0 : i32
    return %c0_i32 : i32
  }
  func.func @transform_7(%arg0: i32) -> (i32, i32) {
    %c0_i32 = arith.constant 0 : i32
    %c0_i32_0 = arith.constant 0 : i32
    %c0_i32_1 = arith.constant 0 : i32
    return %c0_i32, %c0_i32_0 : i32, i32
  }
  func.func @transform_8(%arg0: i32) -> i32 {
    %c0_i32 = arith.constant 0 : i32
    %c0_i32_0 = arith.constant 0 : i32
    return %c0_i32 : i32
  }
  func.func @transform_9(%arg0: i32) -> i32 {
    %c0_i32 = arith.constant 0 : i32
    %c0_i32_0 = arith.constant 0 : i32
    return %c0_i32 : i32
  }
  func.func @transform_10(%arg0: i32) -> (i32, i32) {
    %c0_i32 = arith.constant 0 : i32
    %c0_i32_0 = arith.constant 0 : i32
    %c0_i32_1 = arith.constant 0 : i32
    return %c0_i32, %c0_i32_0 : i32, i32
  }
  func.func @transform_11(%arg0: i32) -> (i32, i32) {
    %c0_i32 = arith.constant 0 : i32
    %c0_i32_0 = arith.constant 0 : i32
    %c0_i32_1 = arith.constant 0 : i32
    return %c0_i32, %c0_i32_0 : i32, i32
  }
  func.func @transform_12(%arg0: i32) -> (i32, i32) {
    %c0_i32 = arith.constant 0 : i32
    %c0_i32_0 = arith.constant 0 : i32
    %c0_i32_1 = arith.constant 0 : i32
    return %c0_i32, %c0_i32_0 : i32, i32
  }
}

module attributes {stable_mosaic.version = 14 : i64} {
  func.func @_splice_kernel(%arg0: i32, %arg1: memref<16x16x2048xf32, #tpu.memory_space<vmem>>, %arg2: memref<16x16x2048xf32, #tpu.memory_space<vmem>>, %arg3: memref<16x16x2048xf32, #tpu.memory_space<vmem>>) attributes {dimension_semantics = [#tpu.dimension_semantics<arbitrary>], iteration_bounds = array<i64: 1>, scalar_prefetch = 0 : i64, scratch_operands = 0 : i64, tpu.core_type = #tpu.core_type<tc>, window_params = [{transform_indices = @transform_0, window_bounds = array<i64: 16, 16, 2048>}, {pipeline_mode = #tpu.pipeline_mode<synchronous>, transform_indices = @transform_1, window_bounds = array<i64: 16, 16, 2048>}, {transform_indices = @transform_2, window_bounds = array<i64: 16, 16, 2048>}]} {
    %get3A = arith.constant 0 : index
    %get3A_0 = arith.constant 0 : index
    %get3A_1 = arith.constant 0 : index
    %get3A_2 = vector.load %arg2[%get3A, %get3A_0, %get3A_1] : memref<16x16x2048xf32, #tpu.memory_space<vmem>>, vector<16x16x2048xf32>
    %swap3A = arith.constant 0 : index
    %swap3A_3 = arith.constant 0 : index
    %swap3A_4 = arith.constant 0 : index
    %swap3A_5 = vector.load %arg3[%swap3A, %swap3A_3, %swap3A_4] : memref<16x16x2048xf32, #tpu.memory_space<vmem>>, vector<16x16x2048xf32>
    tpu.vector_store %arg3[%swap3A, %swap3A_3, %swap3A_4], %get3A_2 {strides = array<i32>} : memref<16x16x2048xf32, #tpu.memory_space<vmem>>, vector<16x16x2048xf32>,
    return
  }
  func.func @transform_0(%arg0: i32) -> (i32, i32, i32) {
    %c0_i32 = arith.constant 0 : i32
    %c31_i32 = arith.constant 31 : i32
    %c0_i32_0 = arith.constant 0 : i32
    %c0_i32_1 = arith.constant 0 : i32
    return %c0_i32, %c31_i32, %c0_i32_0 : i32, i32, i32
  }
  func.func @transform_1(%arg0: i32) -> (i32, i32, i32) {
    %c0_i32 = arith.constant 0 : i32
    %c0_i32_0 = arith.constant 0 : i32
    %c0_i32_1 = arith.constant 0 : i32
    %c0_i32_2 = arith.constant 0 : i32
    return %c0_i32, %c0_i32_0, %c0_i32_1 : i32, i32, i32
  }
  func.func @transform_2(%arg0: i32) -> (i32, i32, i32) {
    %c0_i32 = arith.constant 0 : i32
    %c31_i32 = arith.constant 31 : i32
    %c0_i32_0 = arith.constant 0 : i32
    %c0_i32_1 = arith.constant 0 : i32
    return %c0_i32, %c31_i32, %c0_i32_0 : i32, i32, i32
  }
}

</mosaic_0001>

<sc_bundles>
// kernel: kernel.6.cloned.1.call-start
scs
__scs_entry_jumppad:
0x0: {  	(pc) =	sbr.rel $0x88, $3  }
0x1: {  	(tag) =	ssettag $0x0;
	lr =	simm.s32 $0x1  }
0x2: {  	[smem:$0x3F95] =	sst lr;
	_ =	strace $0xD0000000  }
0x3: {  	_ = 	snop  }
0x4: {  	_ = 	snop  }
0x5: {  	_ = 	snop  }
0x6: {  	_ = 	snop  }
0x7: {  	_ = 	snop  }
__scs_overlays_trampoline_lowered:
0x8: {  	[smem:$0x3FA4] =	sst s0  }
0x9: {  	[smem:$0x3FA5] =	sst s1  }
0xa: {  	[smem:$0x3FA6] =	sst s2  }
0xb: {  	[smem:$0x3FA7] =	sst s3  }
0xc: {  	[smem:$0x3FA8] =	sst s4  }
0xd: {  	[smem:$0x3FA9] =	sst s5  }
0xe: {  	[smem:$0x3FAA] =	sst s6  }
0xf: {  	[smem:$0x3FAB] =	sst s7  }
0x10: {  	[smem:$0x3FAC] =	sst s8  }
0x11: {  	[smem:$0x3FAD] =	sst s9;
	s0 =	simm.s32 @!p0 $0x0  }
0x12: {  	s1 =	sld [smem:$0x3F93];
	s0 =	simm.s32 @p0 $0x1  }
0x13: {  	[smem:$0x3FAE] =	sst s0;
	s0 =	simm.s32 @!p1 $0x0  }
0x14: {  	s2 =	sld [smem:$0x3F92];
	s0 =	simm.s32 @p1 $0x1  }
0x15: {  	[smem:$0x3FAF] =	sst s0;
	s0 =	simm.s32 @!p2 $0x0  }
0x16: {  	s3 =	sld [smem:$0x3FDB];
	s0 =	simm.s32 @p2 $0x1  }
0x17: {  	s4 =	simm.s32 $0x1BF5;
	[smem:$0x3FB1] =	sst s0  }
0x18: {  	s0 =	sld [smem:$0x3F94];
	_ =	swait.ge [sflag:s4], $0x0  }
0x19: {  	s7 =	sld [smem:$0x3F95]  }
0x1a: {  	s8 =	sadd.s32 $0xFFFFE003, lr  }
0x1b: {  	s9 =	sadd.s32 $0xFFFFFEF7, lr;
	s5 =	simm.s32 $0xFFFFFFFF;
	p2 =	slt.u32 s8, $0xFFFFF086  }
0x1c: {  	p1 =	slt.u32 s9, $0xF7A;
	s5 =	simm.s32 @!p2 $0x0  }
0x1d: {  	s5 =	simm.s32 @p1 $0x1;
	p0 =	seq.s32 s7, s2  }
0x1e: {  	s7 =	smul.u32 @!p0 $0xF7A, s2;
	p2 =	seq.s32 @!p0 s5, $0x0  }
0x1f: {  	s9 =	smul.u32 $0xF7A, s1;
	s8 =	simm.s32 @!p0 $0x1BF5;
	p2 =	por !p2, p0  }
0x20: {  	[sflag:s8] =	ssyncset.s32 @!p0 $0xFFFFF086;
	s6 =	sadd.s32 @!p0 s3, s7;
	s7 =	simm.s32 @!p0 $0x108  }
0x21: {  	s3 =	sadd.s32 s3, s9;
	s6 =	sadd.s32 @!p0 $0x88, s6;
	s7 =	simm.s32 @p2 $0x1082  }
0x22: {  	[simem:s7], [sflag:s8] =	dma.local @!p0 [hbm:s6], $0xF7A  }
0x23: {  	s9 =	sor.u32 $0xD0000000, s2;
	s6 =	simm.s32 $0x108;
	_ =	swait.ge @!p0 [sflag:s8], $0x0  }
0x24: {  	s3 =	sadd.s32 $0x88, s3;
	s6 =	simm.s32 @!p1 $0x1082;
	[sflag:s4] =	ssyncset.s32 $0xFFFFF086  }
0x25: {  	[simem:s6], [sflag:s4] =	dma.local [hbm:s3], $0xF7A  }
0x26: {  	[smem:$0x3F95] =	sst s1;
	(tag) =	ssettag s2;
	_ =	strace s9  }
0x27: {  	s1 =	sld [smem:$0x3FA5]  }
0x28: {  	s2 =	sld [smem:$0x3FA6]  }
0x29: {  	s4 =	sld [smem:$0x3FA8]  }
0x2a: {  	p0 =	seq.s32 s5, $0x0;
	s5 =	sld [smem:$0x3FA9]  }
0x2b: {  	s6 =	sld [smem:$0x3FAA]  }
0x2c: {  	s7 =	sld [smem:$0x3FAB]  }
0x2d: {  	s3 =	simm.s32 $0x108;
	s8 =	sld [smem:$0x3FAC]  }
0x2e: {  	s3 =	simm.s32 @!p0 $0x1082;
	s9 =	sld [smem:$0x3FAD]  }
0x2f: {  	lr =	sadd.s32 s0, s3;
	s0 =	sld [smem:$0x3FA4]  }
0x30: {  	s3 =	sld [smem:$0x3FA7]  }
0x31: {  	[smem:$0x3FB0] =	sst s10  }
0x32: {  	s10 =	sld [smem:$0x3FAE];
	_ =	sdelay $0x3  }
0x33: {  	p0 =	seq.s32 s10, $0x1;
	s10 =	sld [smem:$0x3FB0];
	_ =	sdelay $0x3  }
0x34: {  	[smem:$0x3FB0] =	sst s10  }
0x35: {  	s10 =	sld [smem:$0x3FAF];
	_ =	sdelay $0x3  }
0x36: {  	p1 =	seq.s32 s10, $0x1;
	s10 =	sld [smem:$0x3FB0];
	_ =	sdelay $0x3  }
0x37: {  	[smem:$0x3FB0] =	sst s10  }
0x38: {  	s10 =	sld [smem:$0x3FB1]  }
0x39: {  	_ = 	snop;
	(pc) =	sbr.ind lr, $3  }
0x3a: {  	_ = 	snop  }
0x3b: {  	_ = 	snop  }
0x3c: {  	p2 =	seq.s32 s10, $0x1;
	s10 =	sld [smem:$0x3FB0]  }
0x3d: {  	_ =	shalt  }
0x3e: {  	_ =	shalt  }
0x3f: {  	_ =	shalt  }
0x40: {  	_ =	shalt  }
0x41: {  	_ =	shalt  }
0x42: {  	_ =	shalt  }
0x43: {  	_ =	shalt  }
0x44: {  	_ =	shalt  }
0x45: {  	_ =	shalt  }
0x46: {  	_ =	shalt  }
0x47: {  	_ =	shalt  }
0x48: {  	_ =	shalt  }
0x49: {  	_ =	shalt  }
0x4a: {  	_ =	shalt  }
0x4b: {  	_ =	shalt  }
0x4c: {  	_ =	shalt  }
0x4d: {  	_ =	shalt  }
0x4e: {  	_ =	shalt  }
0x4f: {  	_ =	shalt  }
0x50: {  	_ =	shalt  }
0x51: {  	_ =	shalt  }
0x52: {  	_ =	shalt  }
0x53: {  	_ =	shalt  }
0x54: {  	_ =	shalt  }
0x55: {  	_ =	shalt  }
0x56: {  	_ =	shalt  }
0x57: {  	_ =	shalt  }
0x58: {  	_ =	shalt  }
0x59: {  	_ =	shalt  }
0x5a: {  	_ =	shalt  }
0x5b: {  	_ =	shalt  }
0x5c: {  	_ =	shalt  }
0x5d: {  	_ =	shalt  }
0x5e: {  	_ =	shalt  }
0x5f: {  	_ =	shalt  }
0x60: {  	_ =	shalt  }
0x61: {  	_ =	shalt  }
0x62: {  	_ =	shalt  }
0x63: {  	_ =	shalt  }
0x64: {  	_ =	shalt  }
0x65: {  	_ =	shalt  }
0x66: {  	_ =	shalt  }
0x67: {  	_ =	shalt  }
0x68: {  	_ =	shalt  }
0x69: {  	_ =	shalt  }
0x6a: {  	_ =	shalt  }
0x6b: {  	_ =	shalt  }
0x6c: {  	_ =	shalt  }
0x6d: {  	_ =	shalt  }
0x6e: {  	_ =	shalt  }
0x6f: {  	_ =	shalt  }
0x70: {  	_ =	shalt  }
0x71: {  	_ =	shalt  }
0x72: {  	_ =	shalt  }
0x73: {  	_ =	shalt  }
0x74: {  	_ =	shalt  }
0x75: {  	_ =	shalt  }
0x76: {  	_ =	shalt  }
0x77: {  	_ =	shalt  }
0x78: {  	_ =	shalt  }
0x79: {  	_ =	shalt  }
0x7a: {  	_ =	shalt  }
0x7b: {  	_ =	shalt  }
0x7c: {  	_ =	shalt  }
0x7d: {  	_ =	shalt  }
0x7e: {  	_ =	shalt  }
0x7f: {  	_ =	shalt  }
0x80: {  	_ =	shalt  }
0x81: {  	_ =	shalt  }
0x82: {  	_ =	shalt  }
0x83: {  	_ =	shalt  }
0x84: {  	_ =	shalt  }
0x85: {  	_ =	shalt  }
0x86: {  	_ =	shalt  }
0x87: {  	_ =	shalt  }
.Lfunc_end0:
.L_simem_size_0:
called_computation_lowered:
.L_overlay_start_0:
0x88: {  	s2 =	sld [smem:$0x3FD9]  }
0x89: {  	s3 =	sld [smem:$0x3FFE];
	_ =	sdelay $0x1  }
0x8a: {  	s1 =	srdreg.scid  }
0x8b: {  	s0 =	sand.u32 $0x1, s1  }
0x8c: {  	s18 =	sshll.u32 s0, $0xA;
	s2 =	sadd.s32 s3, s2  }
0x8d: {  	s2 =	sadd.s32 s2, s18  }
0x8e: {  	[smem:$0x3FBC] =	sst s2  }
0x8f: {  	_ = 	snop  }
0x90: {  	s2 =	sld [smem:$0x3FC9]  }
0x91: {  	s19 =	sld [smem:$0x3FD0];
	(tm) =	ssettm $0x1  }
0x92: {  	s4 =	sld [smem:$0x3FFB];
	_ =	sdelay $0x3  }
0x93: {  	_ =	strace s4  }
0x94: {  	s4 =	sld [smem:$0x3FFC];
	_ =	sdelay $0x3  }
0x95: {  	_ =	strace s4  }
0x96: {  	s4 =	sld [smem:$0x3FFD];
	_ =	sdelay $0x3  }
0x97: {  	_ =	strace s4  }
0x98: {  	_ =	strace $0x8FFFFFFF  }
0x99: {  	s20 =	sld [smem:$0x3FDB];
	_ =	sdelay $0x1  }
0x9a: {  	s5 =	simm.s32 $_scs_section_size  }
0x9b: {  	s6 =	simm.s32 $_size__tile_overlayer_lowered;
	s7 =	simm.s32 $_tile_overlayer_lowered  }
0x9c: {  	s23 =	simm.s32 $0x1BFF;
	s22 =	sshll.u32 s7, $0x1;
	s4 =	sadd.s32 s5, s20  }
0x9d: {  	s8 =	simm.s32 $0x0;
	s21 =	sshll.u32 s6, $0x1;
	s6 =	sadd.s32 s22, s4  }
0x9e: {  	[timem:s8], [sflag:s23] =	dma.local [hbm:s6], s21  }
0x9f: {  	_ =	swait.ge [sflag:s23], s21  }
0xa0: {  	s5 =	ssub.s32 $0x0, s21;
	[sflag:s23] =	ssyncset.done $0x0  }
0xa1: {  	[sflag:s23] =	ssyncadd.s32 s5;
	_ =	sdelay $0x1  }
0xa2: {  	s24 =	simm.s32 $0x1B8B  }
0xa3: {  	_ =	swait.ge [sflag:s24], $0x1  }
0xa4: {  	[sflag:s24] =	ssyncset.done $0x0  }
0xa5: {  	s25 =	simm.s32 $0x1B8E;
	[sflag:s24] =	ssyncadd.s32 $0xFFFFFFFF  }
0xa6: {  	s26 =	simm.s32 $execute0_lowered;
	[smem:$0x3FD2] =	sst s25  }
0xa7: {  	s5 =	sshll.u32 s26, $0x1;
	_ =	strace $0x80000046;
	[dreg:$0x1] =	wrdreg $0xFFFFFFFF  }
0xa8: {  	s28 =	simm.s32 $_size_execute0_lowered;
	s4 =	sadd.s32 s4, s5;
	[dreg:$0x0] =	wrdreg $0x0  }
0xa9: {  	s5 =	sshll.u32 s28, $0x1;
	[dreg:$0x2] =	wrdreg s4  }
0xaa: {  	[dreg:$0x3] =	wrdreg s5  }
0xab: {  	[dreg:$0x4] =	wrdreg $0xC0  }
0xac: {  	_ =	task [dreg:s8], $0x5FFFF  }
0xad: {  	[dreg:$0x1] =	wrdreg $0xFFFFFFFF  }
0xae: {  	[dreg:$0x0] =	wrdreg $0x60  }
0xaf: {  	[dreg:$0x2] =	wrdreg s2  }
0xb0: {  	[dreg:$0x3] =	wrdreg s19  }
0xb1: {  	[dreg:$0x4] =	wrdreg $0x9  }
0xb2: {  	_ =	task.clear_ibuf [dreg:s8], $0x5FFFF;
	_ =	strace $0x90000046  }
0xb3: {  	s29 =	simm.s32 $0x9;
	_ =	strace $0x80000048  }
0xb4: {  	_ =	swait.ge [sflag:s29], $0x1  }
0xb5: {  	[sflag:s29] =	ssyncadd.s32 $0xFFFFFFFF  }
0xb6: {  	_ =	strace $0x90000048  }
0xb7: {  	_ =	sfence  }
0xb8: {  	s30 =	sld [smem:$0x0];
	_ =	sdelay $0x2  }
0xb9: {  	s31 =	sshll.u32 s1, $0xD;
	s1 =	sshrl.u32 s1, $0x2  }
0xba: {  	s3 =	sand.u32 $0x4000, s31;
	s1 =	sadd.s32 s1, s30  }
0xbb: {  	s0 =	sor.u32 s3, s0;
	s1 =	sshll.u32 s1, $0x11  }
0xbc: {  	s0 =	sor.u32 s1, s0  }
0xbd: {  	s0 =	sadd.s32 $0x8F2B, s0  }
0xbe: {  	[sflag:s0] =	ssyncadd.remote.s32 $0x1  }
0xbf: {  	_ =	sfence.sel $0xFFFF  }
0xc0: {  	[dreg:$0x0] =	wrdreg $0xFFFFFFFF;
	(pc) =	sbr.abs _section_cstart, $3  }
0xc1: {  	[dreg:$0x1] =	wrdreg $0xFFFFFFFF  }
0xc2: {  	_ =	task.clear_ibuf [dreg:s8], $0x2FFFF;
	_ =	strace $0x9FFFFFFF  }
0xc3: {  	(tm) =	ssettm $0x7FFFFFFF  }
tec
execute0_lowered:
.L_overlay_start_1:
0x0: {  	(tag) =	ssettag $0x1  }
0x1: {  	s29 =	rddreg [dreg:$0x0];
	s0 =	srdreg.scid  }
0x2: {  	s3 =	stileid.u32;
	s2 =	simm.s32 $0x0;
	s0 =	sand.u32 $0x1, s0  }
0x3: {  	s3 =	sshll.u32 s3, $0x11;
	[smem:$0x7FF] =	sst s2;
	s4 =	sshll.u32 s0, $0x10  }
0x4: {  	[dreg:$0xd] =	wrdreg s0;
	s30 =	sor.u32 s4, s3  }
0x5: {  	s1 =	rddreg [dreg:$0x1];
	_ =	strace $0x80000047;
	s3 =	sadd.s32 s29, s30  }
0x6: {  	s4 =	sor.u32 $0x1000, s30;
	s11 =	sadd.s32 s1, s30;
	[dreg:$0x3] =	wrdreg s3  }
0x7: {  	s5 =	sor.u32 $0x2000, s30;
	s10 =	sadd.s32 s29, s4;
	[dreg:$0x5] =	wrdreg s11  }
0x8: {  	s12 =	sadd.s32 s29, s5;
	[dreg:$0x4] =	wrdreg s10  }
0x9: {  	s14 =	sor.u32 $0x3000, s30;
	s13 =	sadd.s32 s1, s4;
	[dreg:$0x6] =	wrdreg s12  }
0xa: {  	s15 =	sadd.s32 s29, s14;
	[dreg:$0x7] =	wrdreg s13  }
0xb: {  	s16 =	sadd.s32 s1, s5;
	[dreg:$0x8] =	wrdreg s15  }
0xc: {  	s17 =	sor.u32 $0x4000, s30;
	[dreg:$0x9] =	wrdreg s16  }
0xd: {  	s18 =	sadd.s32 s29, s17;
	s19 =	rddreg [dreg:$0x3]  }
0xe: {  	s20 =	sadd.s32 s1, s14;
	[dreg:$0xa] =	wrdreg s18  }
0xf: {  	[dreg:$0xb] =	wrdreg s20  }
0x10: {  	[tilespmem:s2], [sflag:$0x1] =	stream.linear.gather [hbm4b:s19+s2], $0x8000, $0x38;
	[tilespmem:$0x10000] =	vst v63  }
0x11: {  	s3 =	simm.s32 $0x8000;
	s4 =	simm.s32 $0x1;
	s6 =	rddreg [dreg:$0x4]  }
0x12: {  	[tilespmem:s3], [sflag:$0x2] =	stream.linear.gather [hbm4b:s6+s2], $0x8000, $0x38;
	[tilespmem:$0x10000] =	vst v63  }
0x13: {  	_ =	swait.ge [sflag:s4], $0x8000  }
0x14: {  	[sflag:s4] =	ssyncset.done $0x0  }
0x15: {  	s5 =	simm.s32 $0x3;
	s21 =	rddreg [dreg:$0x5];
	[sflag:s4] =	ssyncadd.s32 $0xFFFF8000  }
0x16: {  	[hbm4b:s21+s2] =	stream.linear.scatter [tilespmem:s2], [sflag:$0x3], $0x8000, $0x38;
	[tilespmem:$0x10000] =	vst v63  }
0x17: {  	_ =	swait.ge [sflag:s5], $0x8000  }
0x18: {  	[sflag:s5] =	ssyncset.done $0x0  }
0x19: {  	s6 =	simm.s32 $0x2;
	s7 =	rddreg [dreg:$0x6];
	[sflag:s5] =	ssyncadd.s32 $0xFFFF8000  }
0x1a: {  	[tilespmem:s2], [sflag:$0x1] =	stream.linear.gather [hbm4b:s7+s2], $0x8000, $0x38;
	[tilespmem:$0x10000] =	vst v63  }
0x1b: {  	_ =	swait.ge [sflag:s6], $0x8000  }
0x1c: {  	[sflag:s6] =	ssyncset.done $0x0  }
0x1d: {  	s7 =	simm.s32 $0x4;
	s8 =	rddreg [dreg:$0x7];
	[sflag:s6] =	ssyncadd.s32 $0xFFFF8000  }
0x1e: {  	[hbm4b:s8+s2] =	stream.linear.scatter [tilespmem:s3], [sflag:$0x4], $0x8000, $0x38;
	[tilespmem:$0x10000] =	vst v63  }
0x1f: {  	_ =	swait.ge [sflag:s7], $0x8000  }
0x20: {  	[sflag:s7] =	ssyncset.done $0x0  }
0x21: {  	s22 =	rddreg [dreg:$0x8];
	[sflag:s7] =	ssyncadd.s32 $0xFFFF8000  }
0x22: {  	[tilespmem:s3], [sflag:$0x2] =	stream.linear.gather [hbm4b:s22+s2], $0x8000, $0x38;
	[tilespmem:$0x10000] =	vst v63  }
0x23: {  	_ =	swait.ge [sflag:s4], $0x8000  }
0x24: {  	[sflag:s4] =	ssyncset.done $0x0  }
0x25: {  	s23 =	rddreg [dreg:$0x9];
	[sflag:s4] =	ssyncadd.s32 $0xFFFF8000  }
0x26: {  	[hbm4b:s23+s2] =	stream.linear.scatter [tilespmem:s2], [sflag:$0x3], $0x8000, $0x38;
	[tilespmem:$0x10000] =	vst v63  }
0x27: {  	_ =	swait.ge [sflag:s5], $0x8000  }
0x28: {  	[sflag:s5] =	ssyncset.done $0x0  }
0x29: {  	s24 =	rddreg [dreg:$0xa];
	[sflag:s5] =	ssyncadd.s32 $0xFFFF8000  }
0x2a: {  	[tilespmem:s2], [sflag:$0x1] =	stream.linear.gather [hbm4b:s24+s2], $0x8000, $0x38;
	[tilespmem:$0x10000] =	vst v63  }
0x2b: {  	_ =	swait.ge [sflag:s6], $0x8000  }
0x2c: {  	[sflag:s6] =	ssyncset.done $0x0  }
0x2d: {  	s25 =	rddreg [dreg:$0xb];
	[sflag:s6] =	ssyncadd.s32 $0xFFFF8000  }
0x2e: {  	[hbm4b:s25+s2] =	stream.linear.scatter [tilespmem:s3], [sflag:$0x4], $0x8000, $0x38;
	[tilespmem:$0x10000] =	vst v63  }
0x2f: {  	s11 =	sor.u32 $0x5000, s30;
	_ =	swait.ge [sflag:s7], $0x8000  }
0x30: {  	s26 =	sadd.s32 s29, s11;
	[sflag:s7] =	ssyncset.done $0x0  }
0x31: {  	[dreg:$0xc] =	wrdreg s26;
	[sflag:s7] =	ssyncadd.s32 $0xFFFF8000  }
0x32: {  	[tilespmem:s3], [sflag:$0x2] =	stream.linear.gather [hbm4b:s26+s2], $0x8000, $0x38;
	[tilespmem:$0x10000] =	vst v63  }
0x33: {  	_ =	swait.ge [sflag:s4], $0x8000  }
0x34: {  	[sflag:s4] =	ssyncset.done $0x0  }
0x35: {  	s0 =	sadd.s32 s1, s17;
	[sflag:s4] =	ssyncadd.s32 $0xFFFF8000  }
0x36: {  	[hbm4b:s0+s2] =	stream.linear.scatter [tilespmem:s2], [sflag:$0x3], $0x8000, $0x38;
	[tilespmem:$0x10000] =	vst v63  }
0x37: {  	_ =	swait.ge [sflag:s5], $0x8000  }
0x38: {  	s13 =	sor.u32 $0x6000, s30;
	[sflag:s5] =	ssyncset.done $0x0  }
0x39: {  	s10 =	sadd.s32 s29, s13;
	[sflag:s5] =	ssyncadd.s32 $0xFFFF8000  }
0x3a: {  	[tilespmem:s2], [sflag:$0x1] =	stream.linear.gather [hbm4b:s10+s2], $0x8000, $0x38;
	[tilespmem:$0x10000] =	vst v63  }
0x3b: {  	_ =	swait.ge [sflag:s6], $0x8000  }
0x3c: {  	[sflag:s6] =	ssyncset.done $0x0  }
0x3d: {  	s11 =	sadd.s32 s1, s11;
	[sflag:s6] =	ssyncadd.s32 $0xFFFF8000  }
0x3e: {  	[hbm4b:s11+s2] =	stream.linear.scatter [tilespmem:s3], [sflag:$0x4], $0x8000, $0x38;
	[tilespmem:$0x10000] =	vst v63  }
0x3f: {  	_ =	swait.ge [sflag:s7], $0x8000  }
0x40: {  	s15 =	sor.u32 $0x7000, s30;
	[sflag:s7] =	ssyncset.done $0x0  }
0x41: {  	s12 =	sadd.s32 s29, s15;
	[sflag:s7] =	ssyncadd.s32 $0xFFFF8000  }
0x42: {  	[tilespmem:s3], [sflag:$0x2] =	stream.linear.gather [hbm4b:s12+s2], $0x8000, $0x38;
	[tilespmem:$0x10000] =	vst v63  }
0x43: {  	_ =	swait.ge [sflag:s4], $0x8000  }
0x44: {  	[sflag:s4] =	ssyncset.done $0x0  }
0x45: {  	s13 =	sadd.s32 s1, s13;
	[sflag:s4] =	ssyncadd.s32 $0xFFFF8000  }
0x46: {  	[hbm4b:s13+s2] =	stream.linear.scatter [tilespmem:s2], [sflag:$0x3], $0x8000, $0x38;
	[tilespmem:$0x10000] =	vst v63  }
0x47: {  	_ =	swait.ge [sflag:s5], $0x8000  }
0x48: {  	s17 =	sor.u32 $0x8000, s30;
	[sflag:s5] =	ssyncset.done $0x0  }
0x49: {  	s14 =	sadd.s32 s29, s17;
	[sflag:s5] =	ssyncadd.s32 $0xFFFF8000  }
0x4a: {  	[tilespmem:s2], [sflag:$0x1] =	stream.linear.gather [hbm4b:s14+s2], $0x8000, $0x38;
	[tilespmem:$0x10000] =	vst v63  }
0x4b: {  	_ =	swait.ge [sflag:s6], $0x8000  }
0x4c: {  	[sflag:s6] =	ssyncset.done $0x0  }
0x4d: {  	s15 =	sadd.s32 s1, s15;
	[sflag:s6] =	ssyncadd.s32 $0xFFFF8000  }
0x4e: {  	[hbm4b:s15+s2] =	stream.linear.scatter [tilespmem:s3], [sflag:$0x4], $0x8000, $0x38;
	[tilespmem:$0x10000] =	vst v63  }
0x4f: {  	_ =	swait.ge [sflag:s7], $0x8000  }
0x50: {  	s19 =	sor.u32 $0x9000, s30;
	[sflag:s7] =	ssyncset.done $0x0  }
0x51: {  	s16 =	sadd.s32 s29, s19;
	[sflag:s7] =	ssyncadd.s32 $0xFFFF8000  }
0x52: {  	[tilespmem:s3], [sflag:$0x2] =	stream.linear.gather [hbm4b:s16+s2], $0x8000, $0x38;
	[tilespmem:$0x10000] =	vst v63  }
0x53: {  	_ =	swait.ge [sflag:s4], $0x8000  }
0x54: {  	[sflag:s4] =	ssyncset.done $0x0  }
0x55: {  	s17 =	sadd.s32 s1, s17;
	[sflag:s4] =	ssyncadd.s32 $0xFFFF8000  }
0x56: {  	[hbm4b:s17+s2] =	stream.linear.scatter [tilespmem:s2], [sflag:$0x3], $0x8000, $0x38;
	[tilespmem:$0x10000] =	vst v63  }
0x57: {  	_ =	swait.ge [sflag:s5], $0x8000  }
0x58: {  	s21 =	sor.u32 $0xA000, s30;
	[sflag:s5] =	ssyncset.done $0x0  }
0x59: {  	s18 =	sadd.s32 s29, s21;
	[sflag:s5] =	ssyncadd.s32 $0xFFFF8000  }
0x5a: {  	[tilespmem:s2], [sflag:$0x1] =	stream.linear.gather [hbm4b:s18+s2], $0x8000, $0x38;
	[tilespmem:$0x10000] =	vst v63  }
0x5b: {  	_ =	swait.ge [sflag:s6], $0x8000  }
0x5c: {  	[sflag:s6] =	ssyncset.done $0x0  }
0x5d: {  	s19 =	sadd.s32 s1, s19;
	[sflag:s6] =	ssyncadd.s32 $0xFFFF8000  }
0x5e: {  	[hbm4b:s19+s2] =	stream.linear.scatter [tilespmem:s3], [sflag:$0x4], $0x8000, $0x38;
	[tilespmem:$0x10000] =	vst v63  }
0x5f: {  	_ =	swait.ge [sflag:s7], $0x8000  }
0x60: {  	s23 =	sor.u32 $0xB000, s30;
	[sflag:s7] =	ssyncset.done $0x0  }
0x61: {  	s20 =	sadd.s32 s29, s23;
	[sflag:s7] =	ssyncadd.s32 $0xFFFF8000  }
0x62: {  	[tilespmem:s3], [sflag:$0x2] =	stream.linear.gather [hbm4b:s20+s2], $0x8000, $0x38;
	[tilespmem:$0x10000] =	vst v63  }
0x63: {  	_ =	swait.ge [sflag:s4], $0x8000  }
0x64: {  	[sflag:s4] =	ssyncset.done $0x0  }
0x65: {  	s21 =	sadd.s32 s1, s21;
	[sflag:s4] =	ssyncadd.s32 $0xFFFF8000  }
0x66: {  	[hbm4b:s21+s2] =	stream.linear.scatter [tilespmem:s2], [sflag:$0x3], $0x8000, $0x38;
	[tilespmem:$0x10000] =	vst v63  }
0x67: {  	_ =	swait.ge [sflag:s5], $0x8000  }
0x68: {  	s25 =	sor.u32 $0xC000, s30;
	[sflag:s5] =	ssyncset.done $0x0  }
0x69: {  	s22 =	sadd.s32 s29, s25;
	[sflag:s5] =	ssyncadd.s32 $0xFFFF8000  }
0x6a: {  	[tilespmem:s2], [sflag:$0x1] =	stream.linear.gather [hbm4b:s22+s2], $0x8000, $0x38;
	[tilespmem:$0x10000] =	vst v63  }
0x6b: {  	_ =	swait.ge [sflag:s6], $0x8000  }
0x6c: {  	[sflag:s6] =	ssyncset.done $0x0  }
0x6d: {  	s23 =	sadd.s32 s1, s23;
	[sflag:s6] =	ssyncadd.s32 $0xFFFF8000  }
0x6e: {  	[hbm4b:s23+s2] =	stream.linear.scatter [tilespmem:s3], [sflag:$0x4], $0x8000, $0x38;
	[tilespmem:$0x10000] =	vst v63  }
0x6f: {  	_ =	swait.ge [sflag:s7], $0x8000  }
0x70: {  	s28 =	sor.u32 $0xD000, s30;
	[sflag:s7] =	ssyncset.done $0x0  }
0x71: {  	s24 =	sadd.s32 s29, s28;
	[sflag:s7] =	ssyncadd.s32 $0xFFFF8000  }
0x72: {  	[tilespmem:s3], [sflag:$0x2] =	stream.linear.gather [hbm4b:s24+s2], $0x8000, $0x38;
	[tilespmem:$0x10000] =	vst v63  }
0x73: {  	_ =	swait.ge [sflag:s4], $0x8000  }
0x74: {  	[sflag:s4] =	ssyncset.done $0x0  }
0x75: {  	s25 =	sadd.s32 s1, s25;
	[sflag:s4] =	ssyncadd.s32 $0xFFFF8000  }
0x76: {  	[hbm4b:s25+s2] =	stream.linear.scatter [tilespmem:s2], [sflag:$0x3], $0x8000, $0x38;
	[tilespmem:$0x10000] =	vst v63  }
0x77: {  	_ =	swait.ge [sflag:s5], $0x8000  }
0x78: {  	s31 =	sor.u32 $0xE000, s30;
	[sflag:s5] =	ssyncset.done $0x0  }
0x79: {  	s26 =	sadd.s32 s29, s31;
	[sflag:s5] =	ssyncadd.s32 $0xFFFF8000  }
0x7a: {  	[tilespmem:s2], [sflag:$0x1] =	stream.linear.gather [hbm4b:s26+s2], $0x8000, $0x38;
	[tilespmem:$0x10000] =	vst v63  }
0x7b: {  	_ =	swait.ge [sflag:s6], $0x8000  }
0x7c: {  	[sflag:s6] =	ssyncset.done $0x0  }
0x7d: {  	s28 =	sadd.s32 s1, s28;
	[sflag:s6] =	ssyncadd.s32 $0xFFFF8000  }
0x7e: {  	[hbm4b:s28+s2] =	stream.linear.scatter [tilespmem:s3], [sflag:$0x4], $0x8000, $0x38;
	[tilespmem:$0x10000] =	vst v63  }
0x7f: {  	_ =	swait.ge [sflag:s7], $0x8000  }
0x80: {  	s8 =	sor.u32 $0xF000, s30;
	[sflag:s7] =	ssyncset.done $0x0  }
0x81: {  	s29 =	sadd.s32 s29, s8;
	[sflag:s7] =	ssyncadd.s32 $0xFFFF8000  }
0x82: {  	[tilespmem:s3], [sflag:$0x2] =	stream.linear.gather [hbm4b:s29+s2], $0x8000, $0x38;
	[tilespmem:$0x10000] =	vst v63  }
0x83: {  	_ =	swait.ge [sflag:s4], $0x8000  }
0x84: {  	[sflag:s4] =	ssyncset.done $0x0  }
0x85: {  	s30 =	sadd.s32 s1, s31;
	[sflag:s4] =	ssyncadd.s32 $0xFFFF8000  }
0x86: {  	[hbm4b:s30+s2] =	stream.linear.scatter [tilespmem:s2], [sflag:$0x3], $0x8000, $0x38;
	[tilespmem:$0x10000] =	vst v63  }
0x87: {  	_ =	swait.ge [sflag:s6], $0x8000  }
0x88: {  	s31 =	sadd.s32 s1, s8;
	[sflag:s6] =	ssyncset.done $0x0;
	s1 =	rddreg [dreg:$0xd]  }
0x89: {  	s9 =	smov.u32 s0;
	s0 =	ssub.s32 $0x2, s1;
	[sflag:s6] =	ssyncadd.s32 $0xFFFF8000  }
0x8a: {  	[hbm4b:s31+s2] =	stream.linear.scatter [tilespmem:s3], [sflag:$0x4], $0x8000, $0x38;
	[tilespmem:$0x10000] =	vst v63  }
0x8b: {  	s8 =	sshrl.u32 s0, $0x1  }
0x8c: {  	s0 =	ssub.s32 s0, s8  }
0x8d: {  	s0 =	smax.u32 s0, $0x1  }
0x8e: {  	p0 =	sne.s32 s0, $0x1  }
.Ltmp0:
0x8f: {  	_ =	swait.ge [sflag:s5], $0x8000;
	(pc) =	sbr.rel @!p0 .LBB2_2-.Ltmp0, $4  }
0x90: {  	[sflag:s5] =	ssyncset.done $0x0  }
0x91: {  	[sflag:s5] =	ssyncadd.s32 $0xFFFF8000  }
0x92: {  	_ =	swait.ge [sflag:s7], $0x8000  }
0x93: {  	s0 =	sadd.s32 $0xFFFFFFFF, s0;
	[sflag:s7] =	ssyncset.done $0x0  }
.LBB2_1:
0x94: {  	s1 =	rddreg [dreg:$0x3];
	[sflag:s7] =	ssyncadd.s32 $0xFFFF8000  }
0x95: {  	[tilespmem:s2], [sflag:$0x1] =	stream.linear.gather [hbm4b:s1+s2], $0x8000, $0x38;
	[tilespmem:$0x10000] =	vst v63  }
0x96: {  	s8 =	rddreg [dreg:$0x4]  }
0x97: {  	[tilespmem:s3], [sflag:$0x2] =	stream.linear.gather [hbm4b:s8+s2], $0x8000, $0x38;
	[tilespmem:$0x10000] =	vst v63  }
0x98: {  	_ =	swait.ge [sflag:s4], $0x8000  }
0x99: {  	[sflag:s4] =	ssyncset.done $0x0  }
0x9a: {  	s8 =	rddreg [dreg:$0x5];
	[sflag:s4] =	ssyncadd.s32 $0xFFFF8000  }
0x9b: {  	[hbm4b:s8+s2] =	stream.linear.scatter [tilespmem:s2], [sflag:$0x3], $0x8000, $0x38;
	[tilespmem:$0x10000] =	vst v63  }
0x9c: {  	_ =	swait.ge [sflag:s5], $0x8000  }
0x9d: {  	[sflag:s5] =	ssyncset.done $0x0  }
0x9e: {  	s8 =	rddreg [dreg:$0x6];
	[sflag:s5] =	ssyncadd.s32 $0xFFFF8000  }
0x9f: {  	[tilespmem:s2], [sflag:$0x1] =	stream.linear.gather [hbm4b:s8+s2], $0x8000, $0x38;
	[tilespmem:$0x10000] =	vst v63  }
0xa0: {  	_ =	swait.ge [sflag:s6], $0x8000  }
0xa1: {  	[sflag:s6] =	ssyncset.done $0x0  }
0xa2: {  	s8 =	rddreg [dreg:$0x7];
	[sflag:s6] =	ssyncadd.s32 $0xFFFF8000  }
0xa3: {  	[hbm4b:s8+s2] =	stream.linear.scatter [tilespmem:s3], [sflag:$0x4], $0x8000, $0x38;
	[tilespmem:$0x10000] =	vst v63  }
0xa4: {  	_ =	swait.ge [sflag:s7], $0x8000  }
0xa5: {  	[sflag:s7] =	ssyncset.done $0x0  }
0xa6: {  	s8 =	rddreg [dreg:$0x8];
	[sflag:s7] =	ssyncadd.s32 $0xFFFF8000  }
0xa7: {  	[tilespmem:s3], [sflag:$0x2] =	stream.linear.gather [hbm4b:s8+s2], $0x8000, $0x38;
	[tilespmem:$0x10000] =	vst v63  }
0xa8: {  	_ =	swait.ge [sflag:s4], $0x8000  }
0xa9: {  	[sflag:s4] =	ssyncset.done $0x0  }
0xaa: {  	s8 =	rddreg [dreg:$0x9];
	[sflag:s4] =	ssyncadd.s32 $0xFFFF8000  }
0xab: {  	[hbm4b:s8+s2] =	stream.linear.scatter [tilespmem:s2], [sflag:$0x3], $0x8000, $0x38;
	[tilespmem:$0x10000] =	vst v63  }
0xac: {  	_ =	swait.ge [sflag:s5], $0x8000  }
0xad: {  	[sflag:s5] =	ssyncset.done $0x0  }
0xae: {  	s8 =	rddreg [dreg:$0xa];
	[sflag:s5] =	ssyncadd.s32 $0xFFFF8000  }
0xaf: {  	[tilespmem:s2], [sflag:$0x1] =	stream.linear.gather [hbm4b:s8+s2], $0x8000, $0x38;
	[tilespmem:$0x10000] =	vst v63  }
0xb0: {  	_ =	swait.ge [sflag:s6], $0x8000  }
0xb1: {  	[sflag:s6] =	ssyncset.done $0x0  }
0xb2: {  	s8 =	rddreg [dreg:$0xb];
	[sflag:s6] =	ssyncadd.s32 $0xFFFF8000  }
0xb3: {  	[hbm4b:s8+s2] =	stream.linear.scatter [tilespmem:s3], [sflag:$0x4], $0x8000, $0x38;
	[tilespmem:$0x10000] =	vst v63  }
0xb4: {  	_ =	swait.ge [sflag:s7], $0x8000  }
0xb5: {  	[sflag:s7] =	ssyncset.done $0x0  }
0xb6: {  	s8 =	rddreg [dreg:$0xc];
	[sflag:s7] =	ssyncadd.s32 $0xFFFF8000  }
0xb7: {  	[tilespmem:s3], [sflag:$0x2] =	stream.linear.gather [hbm4b:s8+s2], $0x8000, $0x38;
	[tilespmem:$0x10000] =	vst v63  }
0xb8: {  	_ =	swait.ge [sflag:s4], $0x8000  }
0xb9: {  	[sflag:s4] =	ssyncset.done $0x0  }
0xba: {  	[sflag:s4] =	ssyncadd.s32 $0xFFFF8000  }
0xbb: {  	[hbm4b:s9+s2] =	stream.linear.scatter [tilespmem:s2], [sflag:$0x3], $0x8000, $0x38;
	[tilespmem:$0x10000] =	vst v63  }
0xbc: {  	_ =	swait.ge [sflag:s5], $0x8000  }
0xbd: {  	[sflag:s5] =	ssyncset.done $0x0  }
0xbe: {  	[sflag:s5] =	ssyncadd.s32 $0xFFFF8000  }
0xbf: {  	[tilespmem:s2], [sflag:$0x1] =	stream.linear.gather [hbm4b:s10+s2], $0x8000, $0x38;
	[tilespmem:$0x10000] =	vst v63  }
0xc0: {  	_ =	swait.ge [sflag:s6], $0x8000  }
0xc1: {  	[sflag:s6] =	ssyncset.done $0x0  }
0xc2: {  	[sflag:s6] =	ssyncadd.s32 $0xFFFF8000  }
0xc3: {  	[hbm4b:s11+s2] =	stream.linear.scatter [tilespmem:s3], [sflag:$0x4], $0x8000, $0x38;
	[tilespmem:$0x10000] =	vst v63  }
0xc4: {  	_ =	swait.ge [sflag:s7], $0x8000  }
0xc5: {  	[sflag:s7] =	ssyncset.done $0x0  }
0xc6: {  	[sflag:s7] =	ssyncadd.s32 $0xFFFF8000  }
0xc7: {  	[tilespmem:s3], [sflag:$0x2] =	stream.linear.gather [hbm4b:s12+s2], $0x8000, $0x38;
	[tilespmem:$0x10000] =	vst v63  }
0xc8: {  	_ =	swait.ge [sflag:s4], $0x8000  }
0xc9: {  	[sflag:s4] =	ssyncset.done $0x0  }
0xca: {  	[sflag:s4] =	ssyncadd.s32 $0xFFFF8000  }
0xcb: {  	[hbm4b:s13+s2] =	stream.linear.scatter [tilespmem:s2], [sflag:$0x3], $0x8000, $0x38;
	[tilespmem:$0x10000] =	vst v63  }
0xcc: {  	_ =	swait.ge [sflag:s5], $0x8000  }
0xcd: {  	[sflag:s5] =	ssyncset.done $0x0  }
0xce: {  	[sflag:s5] =	ssyncadd.s32 $0xFFFF8000  }
0xcf: {  	[tilespmem:s2], [sflag:$0x1] =	stream.linear.gather [hbm4b:s14+s2], $0x8000, $0x38;
	[tilespmem:$0x10000] =	vst v63  }
0xd0: {  	_ =	swait.ge [sflag:s6], $0x8000  }
0xd1: {  	[sflag:s6] =	ssyncset.done $0x0  }
0xd2: {  	[sflag:s6] =	ssyncadd.s32 $0xFFFF8000  }
0xd3: {  	[hbm4b:s15+s2] =	stream.linear.scatter [tilespmem:s3], [sflag:$0x4], $0x8000, $0x38;
	[tilespmem:$0x10000] =	vst v63  }
0xd4: {  	_ =	swait.ge [sflag:s7], $0x8000  }
0xd5: {  	[sflag:s7] =	ssyncset.done $0x0  }
0xd6: {  	[sflag:s7] =	ssyncadd.s32 $0xFFFF8000  }
0xd7: {  	[tilespmem:s3], [sflag:$0x2] =	stream.linear.gather [hbm4b:s16+s2], $0x8000, $0x38;
	[tilespmem:$0x10000] =	vst v63  }
0xd8: {  	_ =	swait.ge [sflag:s4], $0x8000  }
0xd9: {  	[sflag:s4] =	ssyncset.done $0x0  }
0xda: {  	[sflag:s4] =	ssyncadd.s32 $0xFFFF8000  }
0xdb: {  	[hbm4b:s17+s2] =	stream.linear.scatter [tilespmem:s2], [sflag:$0x3], $0x8000, $0x38;
	[tilespmem:$0x10000] =	vst v63  }
0xdc: {  	_ =	swait.ge [sflag:s5], $0x8000  }
0xdd: {  	[sflag:s5] =	ssyncset.done $0x0  }
0xde: {  	[sflag:s5] =	ssyncadd.s32 $0xFFFF8000  }
0xdf: {  	[tilespmem:s2], [sflag:$0x1] =	stream.linear.gather [hbm4b:s18+s2], $0x8000, $0x38;
	[tilespmem:$0x10000] =	vst v63  }
0xe0: {  	_ =	swait.ge [sflag:s6], $0x8000  }
0xe1: {  	[sflag:s6] =	ssyncset.done $0x0  }
0xe2: {  	[sflag:s6] =	ssyncadd.s32 $0xFFFF8000  }
0xe3: {  	[hbm4b:s19+s2] =	stream.linear.scatter [tilespmem:s3], [sflag:$0x4], $0x8000, $0x38;
	[tilespmem:$0x10000] =	vst v63  }
0xe4: {  	_ =	swait.ge [sflag:s7], $0x8000  }
0xe5: {  	[sflag:s7] =	ssyncset.done $0x0  }
0xe6: {  	[sflag:s7] =	ssyncadd.s32 $0xFFFF8000  }
0xe7: {  	[tilespmem:s3], [sflag:$0x2] =	stream.linear.gather [hbm4b:s20+s2], $0x8000, $0x38;
	[tilespmem:$0x10000] =	vst v63  }
0xe8: {  	_ =	swait.ge [sflag:s4], $0x8000  }
0xe9: {  	[sflag:s4] =	ssyncset.done $0x0  }
0xea: {  	[sflag:s4] =	ssyncadd.s32 $0xFFFF8000  }
0xeb: {  	[hbm4b:s21+s2] =	stream.linear.scatter [tilespmem:s2], [sflag:$0x3], $0x8000, $0x38;
	[tilespmem:$0x10000] =	vst v63  }
0xec: {  	_ =	swait.ge [sflag:s5], $0x8000  }
0xed: {  	[sflag:s5] =	ssyncset.done $0x0  }
0xee: {  	[sflag:s5] =	ssyncadd.s32 $0xFFFF8000  }
0xef: {  	[tilespmem:s2], [sflag:$0x1] =	stream.linear.gather [hbm4b:s22+s2], $0x8000, $0x38;
	[tilespmem:$0x10000] =	vst v63  }
0xf0: {  	_ =	swait.ge [sflag:s6], $0x8000  }
0xf1: {  	[sflag:s6] =	ssyncset.done $0x0  }
0xf2: {  	[sflag:s6] =	ssyncadd.s32 $0xFFFF8000  }
0xf3: {  	[hbm4b:s23+s2] =	stream.linear.scatter [tilespmem:s3], [sflag:$0x4], $0x8000, $0x38;
	[tilespmem:$0x10000] =	vst v63  }
0xf4: {  	_ =	swait.ge [sflag:s7], $0x8000  }
0xf5: {  	[sflag:s7] =	ssyncset.done $0x0  }
0xf6: {  	[sflag:s7] =	ssyncadd.s32 $0xFFFF8000  }
0xf7: {  	[tilespmem:s3], [sflag:$0x2] =	stream.linear.gather [hbm4b:s24+s2], $0x8000, $0x38;
	[tilespmem:$0x10000] =	vst v63  }
0xf8: {  	_ =	swait.ge [sflag:s4], $0x8000  }
0xf9: {  	[sflag:s4] =	ssyncset.done $0x0  }
0xfa: {  	[sflag:s4] =	ssyncadd.s32 $0xFFFF8000  }
0xfb: {  	[hbm4b:s25+s2] =	stream.linear.scatter [tilespmem:s2], [sflag:$0x3], $0x8000, $0x38;
	[tilespmem:$0x10000] =	vst v63  }
0xfc: {  	_ =	swait.ge [sflag:s5], $0x8000  }
0xfd: {  	[sflag:s5] =	ssyncset.done $0x0  }
0xfe: {  	[sflag:s5] =	ssyncadd.s32 $0xFFFF8000  }
0xff: {  	[tilespmem:s2], [sflag:$0x1] =	stream.linear.gather [hbm4b:s26+s2], $0x8000, $0x38;
	[tilespmem:$0x10000] =	vst v63  }
0x100: {  	_ =	swait.ge [sflag:s6], $0x8000  }
0x101: {  	[sflag:s6] =	ssyncset.done $0x0  }
0x102: {  	[sflag:s6] =	ssyncadd.s32 $0xFFFF8000  }
0x103: {  	[hbm4b:s28+s2] =	stream.linear.scatter [tilespmem:s3], [sflag:$0x4], $0x8000, $0x38;
	[tilespmem:$0x10000] =	vst v63  }
0x104: {  	_ =	swait.ge [sflag:s7], $0x8000  }
0x105: {  	[sflag:s7] =	ssyncset.done $0x0  }
0x106: {  	[sflag:s7] =	ssyncadd.s32 $0xFFFF8000  }
0x107: {  	[tilespmem:s3], [sflag:$0x2] =	stream.linear.gather [hbm4b:s29+s2], $0x8000, $0x38;
	[tilespmem:$0x10000] =	vst v63  }
0x108: {  	_ =	swait.ge [sflag:s4], $0x8000  }
0x109: {  	[sflag:s4] =	ssyncset.done $0x0  }
0x10a: {  	[sflag:s4] =	ssyncadd.s32 $0xFFFF8000  }
0x10b: {  	[hbm4b:s30+s2] =	stream.linear.scatter [tilespmem:s2], [sflag:$0x3], $0x8000, $0x38;
	[tilespmem:$0x10000] =	vst v63  }
0x10c: {  	_ =	swait.ge [sflag:s6], $0x8000  }
0x10d: {  	[sflag:s6] =	ssyncset.done $0x0  }
0x10e: {  	p0 =	sne.s32 s0, $0x1;
	[sflag:s6] =	ssyncadd.s32 $0xFFFF8000  }
0x10f: {  	[hbm4b:s31+s2] =	stream.linear.scatter [tilespmem:s3], [sflag:$0x4], $0x8000, $0x38;
	[tilespmem:$0x10000] =	vst v63  }
.Ltmp1:
0x110: {  	_ =	swait.ge [sflag:s5], $0x8000;
	(pc) =	sbr.rel @p0 .LBB2_1-.Ltmp1, $4  }
0x111: {  	[sflag:s5] =	ssyncset.done $0x0  }
0x112: {  	[sflag:s5] =	ssyncadd.s32 $0xFFFF8000  }
0x113: {  	_ =	swait.ge [sflag:s7], $0x8000  }
0x114: {  	s0 =	sadd.s32 $0xFFFFFFFF, s0;
	[sflag:s7] =	ssyncset.done $0x0  }
.LBB2_2:
0x115: {  	[sflag:s7] =	ssyncadd.s32 $0xFFFF8000  }
0x116: {  	_ =	sfence.sel $0x180000  }
0x117: {  	[bflag:$0x0] =	sbarrier.arrive $0xFFFF  }
0x118: {  	_ =	strace $0x90000047  }
0x119: {  	s0 =	stileid.u32;
	[bflag:$0x2] =	sbarrier.arrive $0xFFFF  }
0x11a: {  	p0 =	sne.s32 s0, $0x0;
	s0 =	rddreg [dreg:$0x2]  }
0x11b: {  	s0 =	sadd.s32 @!p0 $0x100000, s0  }
0x11c: {  	[sflag:s0] =	ssyncadd.tile.s32 @!p0 $0x1;
	_ =	shalt  }
.Lfunc_end2:
_tile_overlayer_lowered:
.L_overlay_start_2:
0x11d: {  	(tag) =	ssettag $0x2  }
0x11e: {  	s0 =	rddreg [dreg:$0x0];
	s2 =	stileid.u32  }
0x11f: {  	s1 =	rddreg [dreg:$0x1];
	p0 =	sne.s32 s2, $0x0  }
0x120: {  	s3 =	rddreg [dreg:$0x2];
	[bflag:$0x3] =	sbarrier.arrive $0xFFFF;
	s2 =	simm.s32 @!p0 $0x1C05  }
0x121: {  	[timem:s3], [sflag:s2] =	dma.local @!p0 [hbm:s0], s1  }
0x122: {  	s0 =	simm.s32 @!p0 $0x5  }
0x123: {  	_ =	swait.ge @!p0 [sflag:s0], s1  }
0x124: {  	s1 =	ssub.s32 @!p0 $0x0, s1;
	[sflag:s0] =	ssyncset.done @!p0 $0x0  }
0x125: {  	[sflag:s0] =	ssyncadd.s32 @!p0 s1  }
0x126: {  	[bflag:$0x3] =	sbarrier.arrive $0xFFFF  }
0x127: {  	_ =	shalt  }

</sc_bundles>
